<compile_context>
chip_gen: v7x
topology: tpu7x:2x2x1
jax: 0.10.2.dev20260603
libtpu: 0.0.44.dev20260713+nightly
codegen_flags: <defaults>
</compile_context>

<pallas_src>
import jax
import jax.numpy as jnp
from jax import lax
from jax.experimental import pallas as pl
from jax.experimental.pallas import tpu as pltpu
from jax.experimental.pallas import tpu_sc as plsc

N = 10000
E = 320000
NC = 2
NS = 16
NW = NC * NS
EPW = E // NW
RPT = 624
TAIL = N - NS * RPT
SROWS = 208
DEG_T = 10
DEG_PER_T = N // DEG_T


def _sc_scatter_make(D, with_deg):
    CH = 400 if D == 64 else 1000
    NCHUNK = EPW // CH
    NPAIR = NCHUNK // 2
    mesh = plsc.VectorSubcoreMesh(
        core_axis_name="c", subcore_axis_name="s", num_cores=NC, num_subcores=NS
    )
    out_type = [jax.ShapeDtypeStruct((N, 128), jnp.float32)]
    scratch = [
        pltpu.VMEM_SHARED((N, D), jnp.float32),
        pltpu.VMEM((CH,), jnp.int32),
        pltpu.VMEM((CH,), jnp.int32),
        pltpu.VMEM((CH,), jnp.int32),
        pltpu.VMEM((CH,), jnp.int32),
        pltpu.VMEM((CH, D), jnp.float32),
        pltpu.VMEM((CH, D), jnp.float32),
        pltpu.VMEM((SROWS, D), jnp.float32),
        pltpu.SemaphoreType.DMA,
    ]
    if with_deg:
        out_type.append(jax.ShapeDtypeStruct((NC * N,), jnp.float32))
        scratch += [
            pltpu.VMEM_SHARED((N,), jnp.float32),
            pltpu.VMEM((CH,), jnp.float32),
            pltpu.VMEM((DEG_PER_T,), jnp.float32),
        ]

    def body(y_hbm, src_hbm, dst_hbm, zrows_hbm, zdeg_hbm, out_hbm, *rest):
        if with_deg:
            (deg_hbm, acc, srcv0, dstv0, srcv1, dstv1, rows0, rows1, stage,
             sem, dacc, onesv, dstage) = rest
        else:
            (acc, srcv0, dstv0, srcv1, dstv1, rows0, rows1, stage, sem) = rest
        c = lax.axis_index("c")
        s = lax.axis_index("s")
        wid = s * NC + c
        base = wid * EPW

        rb = s * RPT
        pltpu.sync_copy(zrows_hbm, stage)
        for p in range(RPT // SROWS):
            pltpu.sync_copy(stage, acc.at[pl.ds(rb + p * SROWS, SROWS)])

        @pl.when(s == NS - 1)
        def _():
            pltpu.sync_copy(stage.at[pl.ds(0, TAIL)],
                            acc.at[pl.ds(NS * RPT, TAIL)])

        if with_deg:
            @pl.when(s < DEG_T)
            def _():
                pltpu.sync_copy(zdeg_hbm, dstage)
                pltpu.sync_copy(dstage, dacc.at[pl.ds(s * DEG_PER_T, DEG_PER_T)])

            ones16 = jnp.full((16,), 1.0, jnp.float32)
            for j in range(CH // 16):
                onesv[pl.ds(j * 16, 16)] = ones16
            if CH % 16:
                onesv[pl.ds(CH - 16, 16)] = ones16

        plsc.subcore_barrier()

        pltpu.sync_copy(src_hbm.at[pl.ds(base, CH)], srcv0)
        pltpu.sync_copy(dst_hbm.at[pl.ds(base, CH)], dstv0)
        pltpu.async_copy(y_hbm.at[srcv0], rows0, sem)

        def pair(k, carry):
            i0 = 2 * k
            eb1 = base + (i0 + 1) * CH
            pltpu.sync_copy(src_hbm.at[pl.ds(eb1, CH)], srcv1)
            pltpu.sync_copy(dst_hbm.at[pl.ds(eb1, CH)], dstv1)
            pltpu.make_async_copy(y_hbm.at[srcv0], rows0, sem).wait()
            pltpu.async_copy(y_hbm.at[srcv1], rows1, sem)
            pltpu.sync_copy(rows0, acc.at[dstv0], add=True)
            if with_deg:
                pltpu.sync_copy(onesv, dacc.at[dstv0], add=True)

            @pl.when(i0 + 2 < NCHUNK)
            def _():
                eb2 = base + (i0 + 2) * CH
                pltpu.sync_copy(src_hbm.at[pl.ds(eb2, CH)], srcv0)
                pltpu.sync_copy(dst_hbm.at[pl.ds(eb2, CH)], dstv0)

            pltpu.make_async_copy(y_hbm.at[srcv1], rows1, sem).wait()

            @pl.when(i0 + 2 < NCHUNK)
            def _():
                pltpu.async_copy(y_hbm.at[srcv0], rows0, sem)

            pltpu.sync_copy(rows1, acc.at[dstv1], add=True)
            if with_deg:
                pltpu.sync_copy(onesv, dacc.at[dstv1], add=True)
            return carry

        lax.fori_loop(0, NPAIR, pair, 0)
        if NCHUNK % 2:
            pltpu.make_async_copy(y_hbm.at[srcv0], rows0, sem).wait()
            pltpu.sync_copy(rows0, acc.at[dstv0], add=True)
            if with_deg:
                pltpu.sync_copy(onesv, dacc.at[dstv0], add=True)
        plsc.subcore_barrier()

        for p in range(RPT // SROWS):
            pltpu.sync_copy(acc.at[pl.ds(rb + p * SROWS, SROWS)], stage)
            pltpu.sync_copy(
                stage, out_hbm.at[pl.ds(rb + p * SROWS, SROWS), pl.ds(D * c, D)])

        @pl.when(s == NS - 1)
        def _():
            pltpu.sync_copy(acc.at[pl.ds(NS * RPT, TAIL)],
                            stage.at[pl.ds(0, TAIL)])
            pltpu.sync_copy(stage.at[pl.ds(0, TAIL)],
                            out_hbm.at[pl.ds(NS * RPT, TAIL), pl.ds(D * c, D)])

        if with_deg:
            @pl.when(s < DEG_T)
            def _():
                pltpu.sync_copy(dacc.at[pl.ds(s * DEG_PER_T, DEG_PER_T)], dstage)
                pltpu.sync_copy(
                    dstage, deg_hbm.at[pl.ds(c * N + s * DEG_PER_T, DEG_PER_T)])

    return pl.kernel(
        body, out_type=out_type, mesh=mesh, scratch_types=scratch,
        compiler_params=pltpu.CompilerParams(use_tc_tiling_on_sc=False),
    )


def _dotT(a, w):
    return lax.dot_general(
        a, w, dimension_numbers=(((1,), (1,)), ((), ())),
        preferred_element_type=jnp.float32,
    )


def _lin2_body(x_ref, wl_ref, wr_ref, y_ref, xr_ref):
    x = x_ref[...]
    y_ref[...] = _dotT(x, wl_ref[...])
    xr_ref[...] = _dotT(x, wr_ref[...])


def _combine(p_ref, deg_ref, b_ref, xr_ref, D):
    pv = p_ref[...]
    psum = pv[:, :D] + pv[:, D:2 * D]
    dv = deg_ref[...]
    deg = jnp.reshape(jnp.maximum(dv[:N] + dv[N:], 1.0), (N, 1))
    h = psum / deg + b_ref[...] + xr_ref[...]
    return jnp.maximum(h, 0.0)


def _mid_body(p_ref, deg_ref, b_ref, xr_ref, wl_ref, wr_ref, y_ref, xr2_ref):
    h = _combine(p_ref, deg_ref, b_ref, xr_ref, 64)
    y_ref[...] = _dotT(h, wl_ref[...])
    xr2_ref[...] = _dotT(h, wr_ref[...])


def _out_body(q_ref, deg_ref, b_ref, xr_ref, wc_ref, bc_ref, o_ref):
    h = _combine(q_ref, deg_ref, b_ref, xr_ref, 32)
    o_ref[...] = _dotT(h, wc_ref[...]) + bc_ref[...]


def kernel(x, edge_index, W1_l, b1_l, W1_r, W2_l, b2_l, W2_r, Wc, bc):
    src = edge_index[0].astype(jnp.int32)
    dst = edge_index[1].astype(jnp.int32)
    zrows64 = jnp.zeros((SROWS, 64), jnp.float32)
    zrows32 = jnp.zeros((SROWS, 32), jnp.float32)
    zdeg = jnp.zeros((DEG_PER_T,), jnp.float32)

    f32 = jnp.float32
    y1, xr1 = pl.pallas_call(
        _lin2_body,
        out_shape=[jax.ShapeDtypeStruct((N, 64), f32),
                   jax.ShapeDtypeStruct((N, 64), f32)],
    )(x, W1_l, W1_r)

    p, deg = _sc_scatter_make(64, True)(y1, src, dst, zrows64, zdeg)

    y2, xr2 = pl.pallas_call(
        _mid_body,
        out_shape=[jax.ShapeDtypeStruct((N, 32), f32),
                   jax.ShapeDtypeStruct((N, 32), f32)],
    )(p, deg, b1_l.reshape(1, 64), xr1, W2_l, W2_r)

    (q,) = _sc_scatter_make(32, False)(y2, src, dst, zrows32, zdeg)

    out = pl.pallas_call(
        _out_body,
        out_shape=jax.ShapeDtypeStruct((N, 2), f32),
    )(q, deg, b2_l.reshape(1, 32), xr2, Wc, bc.reshape(1, 2))
    return out

# --- scband reference (transcript-rebuilt; emitter-appended) ---
"""Pipeline reference for scband-fraud-graph-sage-87789131530773 (READ-ONLY COPY).

The authoritative reference and input builder live on the scoring server;
editing this copy changes nothing except your own understanding.
"""

import jax, jax.numpy as jnp
import numpy as np

N_NODES = 10000
N_EDGES = 320000
IN_CH = 128
HID = 64
HID2 = 32
OUT = 2


def sage_conv(x, edge_index, W_l, b_l, W_r):
    # PyG SAGEConv with mean aggregation:
    # out = lin_l(mean_{j in N(i)} x_j) + lin_r(x_i)
    src = edge_index[0]
    dst = edge_index[1]
    msg = jnp.take(x, src, axis=0)  # gather source node features
    agg_sum = jax.ops.segment_sum(msg, dst, num_segments=x.shape[0])
    deg = jax.ops.segment_sum(jnp.ones((msg.shape[0],), dtype=x.dtype), dst, num_segments=x.shape[0])
    deg = jnp.clip(deg, 1.0, None)
    agg_mean = agg_sum / deg[:, None]
    return agg_mean @ W_l.T + b_l + x @ W_r.T


def setup_inputs(seed: int = 0) -> dict:
    key = jax.random.key(seed)
    ks = jax.random.split(key, 12)
    x = jax.random.normal(ks[0], (N_NODES, IN_CH), dtype=jnp.float32)
    edge_index = jax.random.randint(ks[1], (2, N_EDGES), 0, N_NODES, dtype=jnp.int64)

    def glorot(k, shape):
        fan_in = shape[1]
        bound = 1.0 / np.sqrt(fan_in)
        return jax.random.uniform(k, shape, dtype=jnp.float32, minval=-bound, maxval=bound)

    W1_l = glorot(ks[2], (HID, IN_CH))
    b1_l = jnp.zeros((HID,), dtype=jnp.float32)
    W1_r = glorot(ks[3], (HID, IN_CH))
    W2_l = glorot(ks[4], (HID2, HID))
    b2_l = jnp.zeros((HID2,), dtype=jnp.float32)
    W2_r = glorot(ks[5], (HID2, HID))
    Wc = glorot(ks[6], (OUT, HID2))
    bc = jnp.zeros((OUT,), dtype=jnp.float32)
    return {"x": x, "edge_index": edge_index, "W1_l": W1_l, "b1_l": b1_l, "W1_r": W1_r,
            "W2_l": W2_l, "b2_l": b2_l, "W2_r": W2_r, "Wc": Wc, "bc": bc}


def reference(x, edge_index, W1_l, b1_l, W1_r, W2_l, b2_l, W2_r, Wc, bc):
    # dropout is identity in eval/inference mode
    h = sage_conv(x, edge_index, W1_l, b1_l, W1_r)
    h = jax.nn.relu(h)
    h = sage_conv(h, edge_index, W2_l, b2_l, W2_r)
    h = jax.nn.relu(h)
    out = h @ Wc.T + bc
    return out

if __name__ == "__main__":
    import jax
    _d = setup_inputs()
    print(jax.jit(kernel)(*tuple(_d.values())))

</pallas_src>

<mosaic_0001>
#map = affine_map<(d0, d1) -> (0, 0)>
#map1 = affine_map<(d0, d1) -> (0)>
module attributes {stable_mosaic.version = 14 : i64} {
  func.func @body(%arg0: i32, %arg1: i32, %arg2: memref<10000x64xf32, #tpu.memory_space<hbm>>, %arg3: memref<320000xi32, #tpu.memory_space<hbm>>, %arg4: memref<320000xi32, #tpu.memory_space<hbm>>, %arg5: memref<208x64xf32, #tpu.memory_space<hbm>>, %arg6: memref<1000xf32, #tpu.memory_space<hbm>>, %arg7: memref<10000x128xf32, #tpu.memory_space<hbm>>, %arg8: memref<20000xf32, #tpu.memory_space<hbm>>, %arg9: memref<10000x64xf32, #tpu.memory_space<vmem_shared>>, %arg10: memref<400xi32, #tpu.memory_space<vmem>>, %arg11: memref<400xi32, #tpu.memory_space<vmem>>, %arg12: memref<400xi32, #tpu.memory_space<vmem>>, %arg13: memref<400xi32, #tpu.memory_space<vmem>>, %arg14: memref<400x64xf32, #tpu.memory_space<vmem>>, %arg15: memref<400x64xf32, #tpu.memory_space<vmem>>, %arg16: memref<208x64xf32, #tpu.memory_space<vmem>>, %arg17: memref<!tpu.dma_semaphore, #tpu.memory_space<semaphore_mem>>, %arg18: memref<10000xf32, #tpu.memory_space<vmem_shared>>, %arg19: memref<400xf32, #tpu.memory_space<vmem>>, %arg20: memref<1000xf32, #tpu.memory_space<vmem>>) attributes {dimension_semantics = [#tpu.dimension_semantics<core_parallel>, #tpu.dimension_semantics<subcore_parallel>], iteration_bounds = array<i64: 2, 16>, scalar_prefetch = 0 : i64, scratch_operands = 12 : i64, tpu.core_type = #tpu.core_type<sc_vector_subcore>, window_params = [{transform_indices = #map}, {transform_indices = #map1}, {transform_indices = #map1}, {transform_indices = #map}, {transform_indices = #map1}, {transform_indices = #map}, {transform_indices = #map1}]} {
    %mul3A = arith.constant 2 : i32
    %mul3A_0 = arith.muli %arg1, %mul3A : i32
    %add3A = arith.addi %mul3A_0, %arg0 : i32
    %mul3A_1 = arith.constant 10000 : i32
    %mul3A_2 = arith.muli %add3A, %mul3A_1 : i32
    %mul3A_3 = arith.constant 624 : i32
    %mul3A_4 = arith.muli %arg1, %mul3A_3 : i32
    "tpu.region"() ({
      %run_scoped3A = tpu.sem_alloc : memref<!tpu.dma_semaphore, #tpu.memory_space<semaphore_mem>>
      tpu.enqueue_dma source(%arg5 : memref<208x64xf32, #tpu.memory_space<hbm>>) target(%arg16 : memref<208x64xf32, #tpu.memory_space<vmem>>) target_semaphore(%run_scoped3A : memref<!tpu.dma_semaphore, #tpu.memory_space<semaphore_mem>>)
      tpu.wait_dma2 semaphore(%run_scoped3A : memref<!tpu.dma_semaphore, #tpu.memory_space<semaphore_mem>>) src(%arg5 : memref<208x64xf32, #tpu.memory_space<hbm>>) dst(%arg16 : memref<208x64xf32, #tpu.memory_space<vmem>>)
      tpu.yield
    }) : () -> ()
    %add3A_5 = arith.constant 0 : i32
    %add3A_6 = arith.addi %mul3A_4, %add3A_5 : i32
    "tpu.region"() ({
      %run_scoped3A = tpu.sem_alloc : memref<!tpu.dma_semaphore, #tpu.memory_space<semaphore_mem>>
      %dma_start3A_155 = arith.constant 0 : i32
      %dma_start3A_156 = tpu.memref_slice %arg9[%add3A_6, %dma_start3A_155] : memref<10000x64xf32, #tpu.memory_space<vmem_shared>> -> memref<208x64xf32, #tpu.memory_space<vmem_shared>>
      %dma_start3A_157 = arith.constant 0 : i32
      %dma_start3A_158 = tpu.memref_slice %arg9[%add3A_6, %dma_start3A_157] : memref<10000x64xf32, #tpu.memory_space<vmem_shared>> -> memref<208x64xf32, #tpu.memory_space<vmem_shared>>
      tpu.enqueue_dma source(%arg16 : memref<208x64xf32, #tpu.memory_space<vmem>>) target(%dma_start3A_158 : memref<208x64xf32, #tpu.memory_space<vmem_shared>>) target_semaphore(%run_scoped3A : memref<!tpu.dma_semaphore, #tpu.memory_space<semaphore_mem>>)
      %dma_wait3A_159 = arith.constant 0 : i32
      %dma_wait3A_160 = tpu.memref_slice %arg9[%add3A_6, %dma_wait3A_159] : memref<10000x64xf32, #tpu.memory_space<vmem_shared>> -> memref<208x64xf32, #tpu.memory_space<vmem_shared>>
      %dma_wait3A_161 = arith.constant 0 : i32
      %dma_wait3A_162 = tpu.memref_slice %arg9[%add3A_6, %dma_wait3A_161] : memref<10000x64xf32, #tpu.memory_space<vmem_shared>> -> memref<208x64xf32, #tpu.memory_space<vmem_shared>>
      tpu.wait_dma2 semaphore(%run_scoped3A : memref<!tpu.dma_semaphore, #tpu.memory_space<semaphore_mem>>) src(%arg16 : memref<208x64xf32, #tpu.memory_space<vmem>>) dst(%dma_wait3A_162 : memref<208x64xf32, #tpu.memory_space<vmem_shared>>)
      tpu.yield
    }) : () -> ()
    %add3A_7 = arith.constant 208 : i32
    %add3A_8 = arith.addi %mul3A_4, %add3A_7 : i32
    "tpu.region"() ({
      %run_scoped3A = tpu.sem_alloc : memref<!tpu.dma_semaphore, #tpu.memory_space<semaphore_mem>>
      %dma_start3A_155 = arith.constant 0 : i32
      %dma_start3A_156 = tpu.memref_slice %arg9[%add3A_8, %dma_start3A_155] : memref<10000x64xf32, #tpu.memory_space<vmem_shared>> -> memref<208x64xf32, #tpu.memory_space<vmem_shared>>
      %dma_start3A_157 = arith.constant 0 : i32
      %dma_start3A_158 = tpu.memref_slice %arg9[%add3A_8, %dma_start3A_157] : memref<10000x64xf32, #tpu.memory_space<vmem_shared>> -> memref<208x64xf32, #tpu.memory_space<vmem_shared>>
      tpu.enqueue_dma source(%arg16 : memref<208x64xf32, #tpu.memory_space<vmem>>) target(%dma_start3A_158 : memref<208x64xf32, #tpu.memory_space<vmem_shared>>) target_semaphore(%run_scoped3A : memref<!tpu.dma_semaphore, #tpu.memory_space<semaphore_mem>>)
      %dma_wait3A_159 = arith.constant 0 : i32
      %dma_wait3A_160 = tpu.memref_slice %arg9[%add3A_8, %dma_wait3A_159] : memref<10000x64xf32, #tpu.memory_space<vmem_shared>> -> memref<208x64xf32, #tpu.memory_space<vmem_shared>>
      %dma_wait3A_161 = arith.constant 0 : i32
      %dma_wait3A_162 = tpu.memref_slice %arg9[%add3A_8, %dma_wait3A_161] : memref<10000x64xf32, #tpu.memory_space<vmem_shared>> -> memref<208x64xf32, #tpu.memory_space<vmem_shared>>
      tpu.wait_dma2 semaphore(%run_scoped3A : memref<!tpu.dma_semaphore, #tpu.memory_space<semaphore_mem>>) src(%arg16 : memref<208x64xf32, #tpu.memory_space<vmem>>) dst(%dma_wait3A_162 : memref<208x64xf32, #tpu.memory_space<vmem_shared>>)
      tpu.yield
    }) : () -> ()
    %add3A_9 = arith.constant 416 : i32
    %add3A_10 = arith.addi %mul3A_4, %add3A_9 : i32
    "tpu.region"() ({
      %run_scoped3A = tpu.sem_alloc : memref<!tpu.dma_semaphore, #tpu.memory_space<semaphore_mem>>
      %dma_start3A_155 = arith.constant 0 : i32
      %dma_start3A_156 = tpu.memref_slice %arg9[%add3A_10, %dma_start3A_155] : memref<10000x64xf32, #tpu.memory_space<vmem_shared>> -> memref<208x64xf32, #tpu.memory_space<vmem_shared>>
      %dma_start3A_157 = arith.constant 0 : i32
      %dma_start3A_158 = tpu.memref_slice %arg9[%add3A_10, %dma_start3A_157] : memref<10000x64xf32, #tpu.memory_space<vmem_shared>> -> memref<208x64xf32, #tpu.memory_space<vmem_shared>>
      tpu.enqueue_dma source(%arg16 : memref<208x64xf32, #tpu.memory_space<vmem>>) target(%dma_start3A_158 : memref<208x64xf32, #tpu.memory_space<vmem_shared>>) target_semaphore(%run_scoped3A : memref<!tpu.dma_semaphore, #tpu.memory_space<semaphore_mem>>)
      %dma_wait3A_159 = arith.constant 0 : i32
      %dma_wait3A_160 = tpu.memref_slice %arg9[%add3A_10, %dma_wait3A_159] : memref<10000x64xf32, #tpu.memory_space<vmem_shared>> -> memref<208x64xf32, #tpu.memory_space<vmem_shared>>
      %dma_wait3A_161 = arith.constant 0 : i32
      %dma_wait3A_162 = tpu.memref_slice %arg9[%add3A_10, %dma_wait3A_161] : memref<10000x64xf32, #tpu.memory_space<vmem_shared>> -> memref<208x64xf32, #tpu.memory_space<vmem_shared>>
      tpu.wait_dma2 semaphore(%run_scoped3A : memref<!tpu.dma_semaphore, #tpu.memory_space<semaphore_mem>>) src(%arg16 : memref<208x64xf32, #tpu.memory_space<vmem>>) dst(%dma_wait3A_162 : memref<208x64xf32, #tpu.memory_space<vmem_shared>>)
      tpu.yield
    }) : () -> ()
    %eq3A = arith.constant 15 : i32
    %eq3A_11 = arith.cmpi eq, %arg1, %eq3A : i32
    %convert_element_type3A = arith.extui %eq3A_11 : i1 to i32
    %cond3A = arith.constant 0 : i32
    %cond3A_12 = arith.cmpi ne, %convert_element_type3A, %cond3A : i32
    scf.if %cond3A_12 {
      "tpu.region"() ({
        %run_scoped3A = tpu.sem_alloc : memref<!tpu.dma_semaphore, #tpu.memory_space<semaphore_mem>>
        %dma_start3A_155 = arith.constant 0 : i32
        %dma_start3A_156 = arith.constant 0 : i32
        %dma_start3A_157 = tpu.memref_slice %arg16[%dma_start3A_155, %dma_start3A_156] : memref<208x64xf32, #tpu.memory_space<vmem>> -> memref<16x64xf32, #tpu.memory_space<vmem>>
        %dma_start3A_158 = arith.constant 9984 : i32
        %dma_start3A_159 = arith.constant 0 : i32
        %dma_start3A_160 = tpu.memref_slice %arg9[%dma_start3A_158, %dma_start3A_159] : memref<10000x64xf32, #tpu.memory_space<vmem_shared>> -> memref<16x64xf32, #tpu.memory_space<vmem_shared>>
        %dma_start3A_161 = arith.constant 9984 : i32
        %dma_start3A_162 = arith.constant 0 : i32
        %dma_start3A_163 = tpu.memref_slice %arg9[%dma_start3A_161, %dma_start3A_162] : memref<10000x64xf32, #tpu.memory_space<vmem_shared>> -> memref<16x64xf32, #tpu.memory_space<vmem_shared>>
        %dma_start3A_164 = arith.constant 0 : i32
        %dma_start3A_165 = arith.constant 0 : i32
        %dma_start3A_166 = tpu.memref_slice %arg16[%dma_start3A_164, %dma_start3A_165] : memref<208x64xf32, #tpu.memory_space<vmem>> -> memref<16x64xf32, #tpu.memory_space<vmem>>
        tpu.enqueue_dma source(%dma_start3A_166 : memref<16x64xf32, #tpu.memory_space<vmem>>) target(%dma_start3A_163 : memref<16x64xf32, #tpu.memory_space<vmem_shared>>) target_semaphore(%run_scoped3A : memref<!tpu.dma_semaphore, #tpu.memory_space<semaphore_mem>>)
        %dma_wait3A_167 = arith.constant 0 : i32
        %dma_wait3A_168 = arith.constant 0 : i32
        %dma_wait3A_169 = tpu.memref_slice %arg16[%dma_wait3A_167, %dma_wait3A_168] : memref<208x64xf32, #tpu.memory_space<vmem>> -> memref<16x64xf32, #tpu.memory_space<vmem>>
        %dma_wait3A_170 = arith.constant 9984 : i32
        %dma_wait3A_171 = arith.constant 0 : i32
        %dma_wait3A_172 = tpu.memref_slice %arg9[%dma_wait3A_170, %dma_wait3A_171] : memref<10000x64xf32, #tpu.memory_space<vmem_shared>> -> memref<16x64xf32, #tpu.memory_space<vmem_shared>>
        %dma_wait3A_173 = arith.constant 9984 : i32
        %dma_wait3A_174 = arith.constant 0 : i32
        %dma_wait3A_175 = tpu.memref_slice %arg9[%dma_wait3A_173, %dma_wait3A_174] : memref<10000x64xf32, #tpu.memory_space<vmem_shared>> -> memref<16x64xf32, #tpu.memory_space<vmem_shared>>
        %dma_wait3A_176 = arith.constant 0 : i32
        %dma_wait3A_177 = arith.constant 0 : i32
        %dma_wait3A_178 = tpu.memref_slice %arg16[%dma_wait3A_176, %dma_wait3A_177] : memref<208x64xf32, #tpu.memory_space<vmem>> -> memref<16x64xf32, #tpu.memory_space<vmem>>
        tpu.wait_dma2 semaphore(%run_scoped3A : memref<!tpu.dma_semaphore, #tpu.memory_space<semaphore_mem>>) src(%dma_wait3A_178 : memref<16x64xf32, #tpu.memory_space<vmem>>) dst(%dma_wait3A_175 : memref<16x64xf32, #tpu.memory_space<vmem_shared>>)
        tpu.yield
      }) : () -> ()
    } else {
    }
    %lt3A = arith.constant 10 : i32
    %lt3A_13 = arith.cmpi slt, %arg1, %lt3A : i32
    %convert_element_type3A_14 = arith.extui %lt3A_13 : i1 to i32
    %cond3A_15 = arith.constant 0 : i32
    %cond3A_16 = arith.cmpi ne, %convert_element_type3A_14, %cond3A_15 : i32
    scf.if %cond3A_16 {
      "tpu.region"() ({
        %run_scoped3A = tpu.sem_alloc : memref<!tpu.dma_semaphore, #tpu.memory_space<semaphore_mem>>
        tpu.enqueue_dma source(%arg6 : memref<1000xf32, #tpu.memory_space<hbm>>) target(%arg20 : memref<1000xf32, #tpu.memory_space<vmem>>) target_semaphore(%run_scoped3A : memref<!tpu.dma_semaphore, #tpu.memory_space<semaphore_mem>>)
        tpu.wait_dma2 semaphore(%run_scoped3A : memref<!tpu.dma_semaphore, #tpu.memory_space<semaphore_mem>>) src(%arg6 : memref<1000xf32, #tpu.memory_space<hbm>>) dst(%arg20 : memref<1000xf32, #tpu.memory_space<vmem>>)
        tpu.yield
      }) : () -> ()
      %mul3A_155 = arith.constant 1000 : i32
      %mul3A_156 = arith.muli %arg1, %mul3A_155 : i32
      "tpu.region"() ({
        %run_scoped3A = tpu.sem_alloc : memref<!tpu.dma_semaphore, #tpu.memory_space<semaphore_mem>>
        %dma_start3A_157 = tpu.memref_slice %arg18[%mul3A_156] : memref<10000xf32, #tpu.memory_space<vmem_shared>> -> memref<1000xf32, #tpu.memory_space<vmem_shared>>
        %dma_start3A_158 = tpu.memref_slice %arg18[%mul3A_156] : memref<10000xf32, #tpu.memory_space<vmem_shared>> -> memref<1000xf32, #tpu.memory_space<vmem_shared>>
        tpu.enqueue_dma source(%arg20 : memref<1000xf32, #tpu.memory_space<vmem>>) target(%dma_start3A_158 : memref<1000xf32, #tpu.memory_space<vmem_shared>>) target_semaphore(%run_scoped3A : memref<!tpu.dma_semaphore, #tpu.memory_space<semaphore_mem>>)
        %dma_wait3A_159 = tpu.memref_slice %arg18[%mul3A_156] : memref<10000xf32, #tpu.memory_space<vmem_shared>> -> memref<1000xf32, #tpu.memory_space<vmem_shared>>
        %dma_wait3A_160 = tpu.memref_slice %arg18[%mul3A_156] : memref<10000xf32, #tpu.memory_space<vmem_shared>> -> memref<1000xf32, #tpu.memory_space<vmem_shared>>
        tpu.wait_dma2 semaphore(%run_scoped3A : memref<!tpu.dma_semaphore, #tpu.memory_space<semaphore_mem>>) src(%arg20 : memref<1000xf32, #tpu.memory_space<vmem>>) dst(%dma_wait3A_160 : memref<1000xf32, #tpu.memory_space<vmem_shared>>)
        tpu.yield
      }) : () -> ()
    } else {
    }
    %broadcast_in_dim3A = arith.constant 1.000000e+00 : f32
    %broadcast_in_dim3A_17 = vector.broadcast %broadcast_in_dim3A : f32 to vector<16xf32>
    %swap3A = arith.constant 0 : index
    %swap3A_18 = tpu.vector_load %arg19[%swap3A] {strides = array<i32>} : memref<400xf32, #tpu.memory_space<vmem>>, vector<16xf32>,
    %swap3A_19 = vector.shape_cast %swap3A_18 : vector<16xf32> to vector<16xf32>
    %swap3A_20 = vector.shape_cast %broadcast_in_dim3A_17 : vector<16xf32> to vector<16xf32>
    tpu.vector_store %arg19[%swap3A], %swap3A_20 {strides = array<i32>} : memref<400xf32, #tpu.memory_space<vmem>>, vector<16xf32>,
    %swap3A_21 = arith.constant 16 : index
    %swap3A_22 = tpu.vector_load %arg19[%swap3A_21] {strides = array<i32>} : memref<400xf32, #tpu.memory_space<vmem>>, vector<16xf32>,
    %swap3A_23 = vector.shape_cast %swap3A_22 : vector<16xf32> to vector<16xf32>
    %swap3A_24 = vector.shape_cast %broadcast_in_dim3A_17 : vector<16xf32> to vector<16xf32>
    tpu.vector_store %arg19[%swap3A_21], %swap3A_24 {strides = array<i32>} : memref<400xf32, #tpu.memory_space<vmem>>, vector<16xf32>,
    %swap3A_25 = arith.constant 32 : index
    %swap3A_26 = tpu.vector_load %arg19[%swap3A_25] {strides = array<i32>} : memref<400xf32, #tpu.memory_space<vmem>>, vector<16xf32>,
    %swap3A_27 = vector.shape_cast %swap3A_26 : vector<16xf32> to vector<16xf32>
    %swap3A_28 = vector.shape_cast %broadcast_in_dim3A_17 : vector<16xf32> to vector<16xf32>
    tpu.vector_store %arg19[%swap3A_25], %swap3A_28 {strides = array<i32>} : memref<400xf32, #tpu.memory_space<vmem>>, vector<16xf32>,
    %swap3A_29 = arith.constant 48 : index
    %swap3A_30 = tpu.vector_load %arg19[%swap3A_29] {strides = array<i32>} : memref<400xf32, #tpu.memory_space<vmem>>, vector<16xf32>,
    %swap3A_31 = vector.shape_cast %swap3A_30 : vector<16xf32> to vector<16xf32>
    %swap3A_32 = vector.shape_cast %broadcast_in_dim3A_17 : vector<16xf32> to vector<16xf32>
    tpu.vector_store %arg19[%swap3A_29], %swap3A_32 {strides = array<i32>} : memref<400xf32, #tpu.memory_space<vmem>>, vector<16xf32>,
    %swap3A_33 = arith.constant 64 : index
    %swap3A_34 = tpu.vector_load %arg19[%swap3A_33] {strides = array<i32>} : memref<400xf32, #tpu.memory_space<vmem>>, vector<16xf32>,
    %swap3A_35 = vector.shape_cast %swap3A_34 : vector<16xf32> to vector<16xf32>
    %swap3A_36 = vector.shape_cast %broadcast_in_dim3A_17 : vector<16xf32> to vector<16xf32>
    tpu.vector_store %arg19[%swap3A_33], %swap3A_36 {strides = array<i32>} : memref<400xf32, #tpu.memory_space<vmem>>, vector<16xf32>,
    %swap3A_37 = arith.constant 80 : index
    %swap3A_38 = tpu.vector_load %arg19[%swap3A_37] {strides = array<i32>} : memref<400xf32, #tpu.memory_space<vmem>>, vector<16xf32>,
    %swap3A_39 = vector.shape_cast %swap3A_38 : vector<16xf32> to vector<16xf32>
    %swap3A_40 = vector.shape_cast %broadcast_in_dim3A_17 : vector<16xf32> to vector<16xf32>
    tpu.vector_store %arg19[%swap3A_37], %swap3A_40 {strides = array<i32>} : memref<400xf32, #tpu.memory_space<vmem>>, vector<16xf32>,
    %swap3A_41 = arith.constant 96 : index
    %swap3A_42 = tpu.vector_load %arg19[%swap3A_41] {strides = array<i32>} : memref<400xf32, #tpu.memory_space<vmem>>, vector<16xf32>,
    %swap3A_43 = vector.shape_cast %swap3A_42 : vector<16xf32> to vector<16xf32>
    %swap3A_44 = vector.shape_cast %broadcast_in_dim3A_17 : vector<16xf32> to vector<16xf32>
    tpu.vector_store %arg19[%swap3A_41], %swap3A_44 {strides = array<i32>} : memref<400xf32, #tpu.memory_space<vmem>>, vector<16xf32>,
    %swap3A_45 = arith.constant 112 : index
    %swap3A_46 = tpu.vector_load %arg19[%swap3A_45] {strides = array<i32>} : memref<400xf32, #tpu.memory_space<vmem>>, vector<16xf32>,
    %swap3A_47 = vector.shape_cast %swap3A_46 : vector<16xf32> to vector<16xf32>
    %swap3A_48 = vector.shape_cast %broadcast_in_dim3A_17 : vector<16xf32> to vector<16xf32>
    tpu.vector_store %arg19[%swap3A_45], %swap3A_48 {strides = array<i32>} : memref<400xf32, #tpu.memory_space<vmem>>, vector<16xf32>,
    %swap3A_49 = arith.constant 128 : index
    %swap3A_50 = tpu.vector_load %arg19[%swap3A_49] {strides = array<i32>} : memref<400xf32, #tpu.memory_space<vmem>>, vector<16xf32>,
    %swap3A_51 = vector.shape_cast %swap3A_50 : vector<16xf32> to vector<16xf32>
    %swap3A_52 = vector.shape_cast %broadcast_in_dim3A_17 : vector<16xf32> to vector<16xf32>
    tpu.vector_store %arg19[%swap3A_49], %swap3A_52 {strides = array<i32>} : memref<400xf32, #tpu.memory_space<vmem>>, vector<16xf32>,
    %swap3A_53 = arith.constant 144 : index
    %swap3A_54 = tpu.vector_load %arg19[%swap3A_53] {strides = array<i32>} : memref<400xf32, #tpu.memory_space<vmem>>, vector<16xf32>,
    %swap3A_55 = vector.shape_cast %swap3A_54 : vector<16xf32> to vector<16xf32>
    %swap3A_56 = vector.shape_cast %broadcast_in_dim3A_17 : vector<16xf32> to vector<16xf32>
    tpu.vector_store %arg19[%swap3A_53], %swap3A_56 {strides = array<i32>} : memref<400xf32, #tpu.memory_space<vmem>>, vector<16xf32>,
    %swap3A_57 = arith.constant 160 : index
    %swap3A_58 = tpu.vector_load %arg19[%swap3A_57] {strides = array<i32>} : memref<400xf32, #tpu.memory_space<vmem>>, vector<16xf32>,
    %swap3A_59 = vector.shape_cast %swap3A_58 : vector<16xf32> to vector<16xf32>
    %swap3A_60 = vector.shape_cast %broadcast_in_dim3A_17 : vector<16xf32> to vector<16xf32>
    tpu.vector_store %arg19[%swap3A_57], %swap3A_60 {strides = array<i32>} : memref<400xf32, #tpu.memory_space<vmem>>, vector<16xf32>,
    %swap3A_61 = arith.constant 176 : index
    %swap3A_62 = tpu.vector_load %arg19[%swap3A_61] {strides = array<i32>} : memref<400xf32, #tpu.memory_space<vmem>>, vector<16xf32>,
    %swap3A_63 = vector.shape_cast %swap3A_62 : vector<16xf32> to vector<16xf32>
    %swap3A_64 = vector.shape_cast %broadcast_in_dim3A_17 : vector<16xf32> to vector<16xf32>
    tpu.vector_store %arg19[%swap3A_61], %swap3A_64 {strides = array<i32>} : memref<400xf32, #tpu.memory_space<vmem>>, vector<16xf32>,
    %swap3A_65 = arith.constant 192 : index
    %swap3A_66 = tpu.vector_load %arg19[%swap3A_65] {strides = array<i32>} : memref<400xf32, #tpu.memory_space<vmem>>, vector<16xf32>,
    %swap3A_67 = vector.shape_cast %swap3A_66 : vector<16xf32> to vector<16xf32>
    %swap3A_68 = vector.shape_cast %broadcast_in_dim3A_17 : vector<16xf32> to vector<16xf32>
    tpu.vector_store %arg19[%swap3A_65], %swap3A_68 {strides = array<i32>} : memref<400xf32, #tpu.memory_space<vmem>>, vector<16xf32>,
    %swap3A_69 = arith.constant 208 : index
    %swap3A_70 = tpu.vector_load %arg19[%swap3A_69] {strides = array<i32>} : memref<400xf32, #tpu.memory_space<vmem>>, vector<16xf32>,
    %swap3A_71 = vector.shape_cast %swap3A_70 : vector<16xf32> to vector<16xf32>
    %swap3A_72 = vector.shape_cast %broadcast_in_dim3A_17 : vector<16xf32> to vector<16xf32>
    tpu.vector_store %arg19[%swap3A_69], %swap3A_72 {strides = array<i32>} : memref<400xf32, #tpu.memory_space<vmem>>, vector<16xf32>,
    %swap3A_73 = arith.constant 224 : index
    %swap3A_74 = tpu.vector_load %arg19[%swap3A_73] {strides = array<i32>} : memref<400xf32, #tpu.memory_space<vmem>>, vector<16xf32>,
    %swap3A_75 = vector.shape_cast %swap3A_74 : vector<16xf32> to vector<16xf32>
    %swap3A_76 = vector.shape_cast %broadcast_in_dim3A_17 : vector<16xf32> to vector<16xf32>
    tpu.vector_store %arg19[%swap3A_73], %swap3A_76 {strides = array<i32>} : memref<400xf32, #tpu.memory_space<vmem>>, vector<16xf32>,
    %swap3A_77 = arith.constant 240 : index
    %swap3A_78 = tpu.vector_load %arg19[%swap3A_77] {strides = array<i32>} : memref<400xf32, #tpu.memory_space<vmem>>, vector<16xf32>,
    %swap3A_79 = vector.shape_cast %swap3A_78 : vector<16xf32> to vector<16xf32>
    %swap3A_80 = vector.shape_cast %broadcast_in_dim3A_17 : vector<16xf32> to vector<16xf32>
    tpu.vector_store %arg19[%swap3A_77], %swap3A_80 {strides = array<i32>} : memref<400xf32, #tpu.memory_space<vmem>>, vector<16xf32>,
    %swap3A_81 = arith.constant 256 : index
    %swap3A_82 = tpu.vector_load %arg19[%swap3A_81] {strides = array<i32>} : memref<400xf32, #tpu.memory_space<vmem>>, vector<16xf32>,
    %swap3A_83 = vector.shape_cast %swap3A_82 : vector<16xf32> to vector<16xf32>
    %swap3A_84 = vector.shape_cast %broadcast_in_dim3A_17 : vector<16xf32> to vector<16xf32>
    tpu.vector_store %arg19[%swap3A_81], %swap3A_84 {strides = array<i32>} : memref<400xf32, #tpu.memory_space<vmem>>, vector<16xf32>,
    %swap3A_85 = arith.constant 272 : index
    %swap3A_86 = tpu.vector_load %arg19[%swap3A_85] {strides = array<i32>} : memref<400xf32, #tpu.memory_space<vmem>>, vector<16xf32>,
    %swap3A_87 = vector.shape_cast %swap3A_86 : vector<16xf32> to vector<16xf32>
    %swap3A_88 = vector.shape_cast %broadcast_in_dim3A_17 : vector<16xf32> to vector<16xf32>
    tpu.vector_store %arg19[%swap3A_85], %swap3A_88 {strides = array<i32>} : memref<400xf32, #tpu.memory_space<vmem>>, vector<16xf32>,
    %swap3A_89 = arith.constant 288 : index
    %swap3A_90 = tpu.vector_load %arg19[%swap3A_89] {strides = array<i32>} : memref<400xf32, #tpu.memory_space<vmem>>, vector<16xf32>,
    %swap3A_91 = vector.shape_cast %swap3A_90 : vector<16xf32> to vector<16xf32>
    %swap3A_92 = vector.shape_cast %broadcast_in_dim3A_17 : vector<16xf32> to vector<16xf32>
    tpu.vector_store %arg19[%swap3A_89], %swap3A_92 {strides = array<i32>} : memref<400xf32, #tpu.memory_space<vmem>>, vector<16xf32>,
    %swap3A_93 = arith.constant 304 : index
    %swap3A_94 = tpu.vector_load %arg19[%swap3A_93] {strides = array<i32>} : memref<400xf32, #tpu.memory_space<vmem>>, vector<16xf32>,
    %swap3A_95 = vector.shape_cast %swap3A_94 : vector<16xf32> to vector<16xf32>
    %swap3A_96 = vector.shape_cast %broadcast_in_dim3A_17 : vector<16xf32> to vector<16xf32>
    tpu.vector_store %arg19[%swap3A_93], %swap3A_96 {strides = array<i32>} : memref<400xf32, #tpu.memory_space<vmem>>, vector<16xf32>,
    %swap3A_97 = arith.constant 320 : index
    %swap3A_98 = tpu.vector_load %arg19[%swap3A_97] {strides = array<i32>} : memref<400xf32, #tpu.memory_space<vmem>>, vector<16xf32>,
    %swap3A_99 = vector.shape_cast %swap3A_98 : vector<16xf32> to vector<16xf32>
    %swap3A_100 = vector.shape_cast %broadcast_in_dim3A_17 : vector<16xf32> to vector<16xf32>
    tpu.vector_store %arg19[%swap3A_97], %swap3A_100 {strides = array<i32>} : memref<400xf32, #tpu.memory_space<vmem>>, vector<16xf32>,
    %swap3A_101 = arith.constant 336 : index
    %swap3A_102 = tpu.vector_load %arg19[%swap3A_101] {strides = array<i32>} : memref<400xf32, #tpu.memory_space<vmem>>, vector<16xf32>,
    %swap3A_103 = vector.shape_cast %swap3A_102 : vector<16xf32> to vector<16xf32>
    %swap3A_104 = vector.shape_cast %broadcast_in_dim3A_17 : vector<16xf32> to vector<16xf32>
    tpu.vector_store %arg19[%swap3A_101], %swap3A_104 {strides = array<i32>} : memref<400xf32, #tpu.memory_space<vmem>>, vector<16xf32>,
    %swap3A_105 = arith.constant 352 : index
    %swap3A_106 = tpu.vector_load %arg19[%swap3A_105] {strides = array<i32>} : memref<400xf32, #tpu.memory_space<vmem>>, vector<16xf32>,
    %swap3A_107 = vector.shape_cast %swap3A_106 : vector<16xf32> to vector<16xf32>
    %swap3A_108 = vector.shape_cast %broadcast_in_dim3A_17 : vector<16xf32> to vector<16xf32>
    tpu.vector_store %arg19[%swap3A_105], %swap3A_108 {strides = array<i32>} : memref<400xf32, #tpu.memory_space<vmem>>, vector<16xf32>,
    %swap3A_109 = arith.constant 368 : index
    %swap3A_110 = tpu.vector_load %arg19[%swap3A_109] {strides = array<i32>} : memref<400xf32, #tpu.memory_space<vmem>>, vector<16xf32>,
    %swap3A_111 = vector.shape_cast %swap3A_110 : vector<16xf32> to vector<16xf32>
    %swap3A_112 = vector.shape_cast %broadcast_in_dim3A_17 : vector<16xf32> to vector<16xf32>
    tpu.vector_store %arg19[%swap3A_109], %swap3A_112 {strides = array<i32>} : memref<400xf32, #tpu.memory_space<vmem>>, vector<16xf32>,
    %swap3A_113 = arith.constant 384 : index
    %swap3A_114 = tpu.vector_load %arg19[%swap3A_113] {strides = array<i32>} : memref<400xf32, #tpu.memory_space<vmem>>, vector<16xf32>,
    %swap3A_115 = vector.shape_cast %swap3A_114 : vector<16xf32> to vector<16xf32>
    %swap3A_116 = vector.shape_cast %broadcast_in_dim3A_17 : vector<16xf32> to vector<16xf32>
    tpu.vector_store %arg19[%swap3A_113], %swap3A_116 {strides = array<i32>} : memref<400xf32, #tpu.memory_space<vmem>>, vector<16xf32>,
    %barrier3A = arith.constant 0 : index
    tpu.barrier barrier_id(%barrier3A)
    "tpu.region"() ({
      %run_scoped3A = tpu.sem_alloc : memref<!tpu.dma_semaphore, #tpu.memory_space<semaphore_mem>>
      %dma_start3A_155 = tpu.memref_slice %arg3[%mul3A_2] : memref<320000xi32, #tpu.memory_space<hbm>> -> memref<400xi32, #tpu.memory_space<hbm>>
      %dma_start3A_156 = tpu.memref_slice %arg3[%mul3A_2] : memref<320000xi32, #tpu.memory_space<hbm>> -> memref<400xi32, #tpu.memory_space<hbm>>
      tpu.enqueue_dma source(%dma_start3A_156 : memref<400xi32, #tpu.memory_space<hbm>>) target(%arg10 : memref<400xi32, #tpu.memory_space<vmem>>) target_semaphore(%run_scoped3A : memref<!tpu.dma_semaphore, #tpu.memory_space<semaphore_mem>>)
      %dma_wait3A_157 = tpu.memref_slice %arg3[%mul3A_2] : memref<320000xi32, #tpu.memory_space<hbm>> -> memref<400xi32, #tpu.memory_space<hbm>>
      %dma_wait3A_158 = tpu.memref_slice %arg3[%mul3A_2] : memref<320000xi32, #tpu.memory_space<hbm>> -> memref<400xi32, #tpu.memory_space<hbm>>
      tpu.wait_dma2 semaphore(%run_scoped3A : memref<!tpu.dma_semaphore, #tpu.memory_space<semaphore_mem>>) src(%dma_wait3A_158 : memref<400xi32, #tpu.memory_space<hbm>>) dst(%arg10 : memref<400xi32, #tpu.memory_space<vmem>>)
      tpu.yield
    }) : () -> ()
    "tpu.region"() ({
      %run_scoped3A = tpu.sem_alloc : memref<!tpu.dma_semaphore, #tpu.memory_space<semaphore_mem>>
      %dma_start3A_155 = tpu.memref_slice %arg4[%mul3A_2] : memref<320000xi32, #tpu.memory_space<hbm>> -> memref<400xi32, #tpu.memory_space<hbm>>
      %dma_start3A_156 = tpu.memref_slice %arg4[%mul3A_2] : memref<320000xi32, #tpu.memory_space<hbm>> -> memref<400xi32, #tpu.memory_space<hbm>>
      tpu.enqueue_dma source(%dma_start3A_156 : memref<400xi32, #tpu.memory_space<hbm>>) target(%arg11 : memref<400xi32, #tpu.memory_space<vmem>>) target_semaphore(%run_scoped3A : memref<!tpu.dma_semaphore, #tpu.memory_space<semaphore_mem>>)
      %dma_wait3A_157 = tpu.memref_slice %arg4[%mul3A_2] : memref<320000xi32, #tpu.memory_space<hbm>> -> memref<400xi32, #tpu.memory_space<hbm>>
      %dma_wait3A_158 = tpu.memref_slice %arg4[%mul3A_2] : memref<320000xi32, #tpu.memory_space<hbm>> -> memref<400xi32, #tpu.memory_space<hbm>>
      tpu.wait_dma2 semaphore(%run_scoped3A : memref<!tpu.dma_semaphore, #tpu.memory_space<semaphore_mem>>) src(%dma_wait3A_158 : memref<400xi32, #tpu.memory_space<hbm>>) dst(%arg11 : memref<400xi32, #tpu.memory_space<vmem>>)
      tpu.yield
    }) : () -> ()
    %dma_start3A = arith.constant 0 : i32
    %dma_start3A_117 = arith.constant 0 : i32
    %dma_start3A_118 = tpu.memref_slice %arg2[%dma_start3A, %dma_start3A_117] : memref<10000x64xf32, #tpu.memory_space<hbm>> -> memref<10000x64xf32, #tpu.memory_space<hbm>>
    tpu.enqueue_indirect_dma source(%dma_start3A_118 : memref<10000x64xf32, #tpu.memory_space<hbm>>) target(%arg14 : memref<400x64xf32, #tpu.memory_space<vmem>>) offsets(%arg10 : memref<400xi32, #tpu.memory_space<vmem>>) semaphore(%arg17 : memref<!tpu.dma_semaphore, #tpu.memory_space<semaphore_mem>>)
    %scan3A = arith.constant 0 : i32
    %scan3A_119 = arith.constant 0 : i32
    %scan3A_120 = arith.constant 12 : i32
    %scan3A_121 = arith.addi %scan3A_119, %scan3A_120 : i32
    %scan3A_122 = arith.constant 1 : i32
    scf.for %scan3A_155 = %scan3A_119 to %scan3A_121 step %scan3A_122  : i32 {
      %mul3A_156 = arith.constant 2 : i32
      %mul3A_157 = arith.muli %mul3A_156, %scan3A_155 : i32
      %add3A_158 = arith.constant 1 : i32
      %add3A_159 = arith.addi %mul3A_157, %add3A_158 : i32
      %mul3A_160 = arith.constant 400 : i32
      %mul3A_161 = arith.muli %add3A_159, %mul3A_160 : i32
      %add3A_162 = arith.addi %mul3A_2, %mul3A_161 : i32
      "tpu.region"() ({
        %run_scoped3A = tpu.sem_alloc : memref<!tpu.dma_semaphore, #tpu.memory_space<semaphore_mem>>
        %dma_start3A_186 = tpu.memref_slice %arg3[%add3A_162] : memref<320000xi32, #tpu.memory_space<hbm>> -> memref<400xi32, #tpu.memory_space<hbm>>
        %dma_start3A_187 = tpu.memref_slice %arg3[%add3A_162] : memref<320000xi32, #tpu.memory_space<hbm>> -> memref<400xi32, #tpu.memory_space<hbm>>
        tpu.enqueue_dma source(%dma_start3A_187 : memref<400xi32, #tpu.memory_space<hbm>>) target(%arg12 : memref<400xi32, #tpu.memory_space<vmem>>) target_semaphore(%run_scoped3A : memref<!tpu.dma_semaphore, #tpu.memory_space<semaphore_mem>>)
        %dma_wait3A_188 = tpu.memref_slice %arg3[%add3A_162] : memref<320000xi32, #tpu.memory_space<hbm>> -> memref<400xi32, #tpu.memory_space<hbm>>
        %dma_wait3A_189 = tpu.memref_slice %arg3[%add3A_162] : memref<320000xi32, #tpu.memory_space<hbm>> -> memref<400xi32, #tpu.memory_space<hbm>>
        tpu.wait_dma2 semaphore(%run_scoped3A : memref<!tpu.dma_semaphore, #tpu.memory_space<semaphore_mem>>) src(%dma_wait3A_189 : memref<400xi32, #tpu.memory_space<hbm>>) dst(%arg12 : memref<400xi32, #tpu.memory_space<vmem>>)
        tpu.yield
      }) : () -> ()
      "tpu.region"() ({
        %run_scoped3A = tpu.sem_alloc : memref<!tpu.dma_semaphore, #tpu.memory_space<semaphore_mem>>
        %dma_start3A_186 = tpu.memref_slice %arg4[%add3A_162] : memref<320000xi32, #tpu.memory_space<hbm>> -> memref<400xi32, #tpu.memory_space<hbm>>
        %dma_start3A_187 = tpu.memref_slice %arg4[%add3A_162] : memref<320000xi32, #tpu.memory_space<hbm>> -> memref<400xi32, #tpu.memory_space<hbm>>
        tpu.enqueue_dma source(%dma_start3A_187 : memref<400xi32, #tpu.memory_space<hbm>>) target(%arg13 : memref<400xi32, #tpu.memory_space<vmem>>) target_semaphore(%run_scoped3A : memref<!tpu.dma_semaphore, #tpu.memory_space<semaphore_mem>>)
        %dma_wait3A_188 = tpu.memref_slice %arg4[%add3A_162] : memref<320000xi32, #tpu.memory_space<hbm>> -> memref<400xi32, #tpu.memory_space<hbm>>
        %dma_wait3A_189 = tpu.memref_slice %arg4[%add3A_162] : memref<320000xi32, #tpu.memory_space<hbm>> -> memref<400xi32, #tpu.memory_space<hbm>>
        tpu.wait_dma2 semaphore(%run_scoped3A : memref<!tpu.dma_semaphore, #tpu.memory_space<semaphore_mem>>) src(%dma_wait3A_189 : memref<400xi32, #tpu.memory_space<hbm>>) dst(%arg13 : memref<400xi32, #tpu.memory_space<vmem>>)
        tpu.yield
      }) : () -> ()
      %dma_wait3A_163 = arith.constant 0 : i32
      %dma_wait3A_164 = arith.constant 0 : i32
      %dma_wait3A_165 = tpu.memref_slice %arg2[%dma_wait3A_163, %dma_wait3A_164] : memref<10000x64xf32, #tpu.memory_space<hbm>> -> memref<10000x64xf32, #tpu.memory_space<hbm>>
      tpu.wait_indirect_dma semaphore(%arg17 : memref<!tpu.dma_semaphore, #tpu.memory_space<semaphore_mem>>) src(%dma_wait3A_165 : memref<10000x64xf32, #tpu.memory_space<hbm>>) dst(%arg14 : memref<400x64xf32, #tpu.memory_space<vmem>>)
      %dma_start3A_166 = arith.constant 0 : i32
      %dma_start3A_167 = arith.constant 0 : i32
      %dma_start3A_168 = tpu.memref_slice %arg2[%dma_start3A_166, %dma_start3A_167] : memref<10000x64xf32, #tpu.memory_space<hbm>> -> memref<10000x64xf32, #tpu.memory_space<hbm>>
      tpu.enqueue_indirect_dma source(%dma_start3A_168 : memref<10000x64xf32, #tpu.memory_space<hbm>>) target(%arg15 : memref<400x64xf32, #tpu.memory_space<vmem>>) offsets(%arg12 : memref<400xi32, #tpu.memory_space<vmem>>) semaphore(%arg17 : memref<!tpu.dma_semaphore, #tpu.memory_space<semaphore_mem>>)
      "tpu.region"() ({
        %run_scoped3A = tpu.sem_alloc : memref<!tpu.dma_semaphore, #tpu.memory_space<semaphore_mem>>
        %dma_start3A_186 = arith.constant 0 : i32
        %dma_start3A_187 = arith.constant 0 : i32
        %dma_start3A_188 = tpu.memref_slice %arg9[%dma_start3A_186, %dma_start3A_187] : memref<10000x64xf32, #tpu.memory_space<vmem_shared>> -> memref<10000x64xf32, #tpu.memory_space<vmem_shared>>
        tpu.enqueue_indirect_dma source(%arg14 : memref<400x64xf32, #tpu.memory_space<vmem>>) target(%dma_start3A_188 : memref<10000x64xf32, #tpu.memory_space<vmem_shared>>) offsets(%arg11 : memref<400xi32, #tpu.memory_space<vmem>>) semaphore(%run_scoped3A : memref<!tpu.dma_semaphore, #tpu.memory_space<semaphore_mem>>) {add = true}
        %dma_wait3A_189 = arith.constant 0 : i32
        %dma_wait3A_190 = arith.constant 0 : i32
        %dma_wait3A_191 = tpu.memref_slice %arg9[%dma_wait3A_189, %dma_wait3A_190] : memref<10000x64xf32, #tpu.memory_space<vmem_shared>> -> memref<10000x64xf32, #tpu.memory_space<vmem_shared>>
        tpu.wait_indirect_dma semaphore(%run_scoped3A : memref<!tpu.dma_semaphore, #tpu.memory_space<semaphore_mem>>) src(%arg14 : memref<400x64xf32, #tpu.memory_space<vmem>>) dst(%dma_wait3A_191 : memref<10000x64xf32, #tpu.memory_space<vmem_shared>>)
        tpu.yield
      }) : () -> ()
      "tpu.region"() ({
        %run_scoped3A = tpu.sem_alloc : memref<!tpu.dma_semaphore, #tpu.memory_space<semaphore_mem>>
        %dma_start3A_186 = arith.constant 0 : i32
        %dma_start3A_187 = tpu.memref_slice %arg18[%dma_start3A_186] : memref<10000xf32, #tpu.memory_space<vmem_shared>> -> memref<10000xf32, #tpu.memory_space<vmem_shared>>
        tpu.enqueue_indirect_dma source(%arg19 : memref<400xf32, #tpu.memory_space<vmem>>) target(%dma_start3A_187 : memref<10000xf32, #tpu.memory_space<vmem_shared>>) offsets(%arg11 : memref<400xi32, #tpu.memory_space<vmem>>) semaphore(%run_scoped3A : memref<!tpu.dma_semaphore, #tpu.memory_space<semaphore_mem>>) {add = true}
        %dma_wait3A_188 = arith.constant 0 : i32
        %dma_wait3A_189 = tpu.memref_slice %arg18[%dma_wait3A_188] : memref<10000xf32, #tpu.memory_space<vmem_shared>> -> memref<10000xf32, #tpu.memory_space<vmem_shared>>
        tpu.wait_indirect_dma semaphore(%run_scoped3A : memref<!tpu.dma_semaphore, #tpu.memory_space<semaphore_mem>>) src(%arg19 : memref<400xf32, #tpu.memory_space<vmem>>) dst(%dma_wait3A_189 : memref<10000xf32, #tpu.memory_space<vmem_shared>>)
        tpu.yield
      }) : () -> ()
      %add3A_169 = arith.constant 2 : i32
      %add3A_170 = arith.addi %mul3A_157, %add3A_169 : i32
      %lt3A_171 = arith.constant 25 : i32
      %lt3A_172 = arith.cmpi slt, %add3A_170, %lt3A_171 : i32
      %convert_element_type3A_173 = arith.extui %lt3A_172 : i1 to i32
      %cond3A_174 = arith.constant 0 : i32
      %cond3A_175 = arith.cmpi ne, %convert_element_type3A_173, %cond3A_174 : i32
      scf.if %cond3A_175 {
        %add3A_186 = arith.constant 2 : i32
        %add3A_187 = arith.addi %mul3A_157, %add3A_186 : i32
        %mul3A_188 = arith.constant 400 : i32
        %mul3A_189 = arith.muli %add3A_187, %mul3A_188 : i32
        %add3A_190 = arith.addi %mul3A_2, %mul3A_189 : i32
        "tpu.region"() ({
          %run_scoped3A = tpu.sem_alloc : memref<!tpu.dma_semaphore, #tpu.memory_space<semaphore_mem>>
          %dma_start3A_191 = tpu.memref_slice %arg3[%add3A_190] : memref<320000xi32, #tpu.memory_space<hbm>> -> memref<400xi32, #tpu.memory_space<hbm>>
          %dma_start3A_192 = tpu.memref_slice %arg3[%add3A_190] : memref<320000xi32, #tpu.memory_space<hbm>> -> memref<400xi32, #tpu.memory_space<hbm>>
          tpu.enqueue_dma source(%dma_start3A_192 : memref<400xi32, #tpu.memory_space<hbm>>) target(%arg10 : memref<400xi32, #tpu.memory_space<vmem>>) target_semaphore(%run_scoped3A : memref<!tpu.dma_semaphore, #tpu.memory_space<semaphore_mem>>)
          %dma_wait3A_193 = tpu.memref_slice %arg3[%add3A_190] : memref<320000xi32, #tpu.memory_space<hbm>> -> memref<400xi32, #tpu.memory_space<hbm>>
          %dma_wait3A_194 = tpu.memref_slice %arg3[%add3A_190] : memref<320000xi32, #tpu.memory_space<hbm>> -> memref<400xi32, #tpu.memory_space<hbm>>
          tpu.wait_dma2 semaphore(%run_scoped3A : memref<!tpu.dma_semaphore, #tpu.memory_space<semaphore_mem>>) src(%dma_wait3A_194 : memref<400xi32, #tpu.memory_space<hbm>>) dst(%arg10 : memref<400xi32, #tpu.memory_space<vmem>>)
          tpu.yield
        }) : () -> ()
        "tpu.region"() ({
          %run_scoped3A = tpu.sem_alloc : memref<!tpu.dma_semaphore, #tpu.memory_space<semaphore_mem>>
          %dma_start3A_191 = tpu.memref_slice %arg4[%add3A_190] : memref<320000xi32, #tpu.memory_space<hbm>> -> memref<400xi32, #tpu.memory_space<hbm>>
          %dma_start3A_192 = tpu.memref_slice %arg4[%add3A_190] : memref<320000xi32, #tpu.memory_space<hbm>> -> memref<400xi32, #tpu.memory_space<hbm>>
          tpu.enqueue_dma source(%dma_start3A_192 : memref<400xi32, #tpu.memory_space<hbm>>) target(%arg11 : memref<400xi32, #tpu.memory_space<vmem>>) target_semaphore(%run_scoped3A : memref<!tpu.dma_semaphore, #tpu.memory_space<semaphore_mem>>)
          %dma_wait3A_193 = tpu.memref_slice %arg4[%add3A_190] : memref<320000xi32, #tpu.memory_space<hbm>> -> memref<400xi32, #tpu.memory_space<hbm>>
          %dma_wait3A_194 = tpu.memref_slice %arg4[%add3A_190] : memref<320000xi32, #tpu.memory_space<hbm>> -> memref<400xi32, #tpu.memory_space<hbm>>
          tpu.wait_dma2 semaphore(%run_scoped3A : memref<!tpu.dma_semaphore, #tpu.memory_space<semaphore_mem>>) src(%dma_wait3A_194 : memref<400xi32, #tpu.memory_space<hbm>>) dst(%arg11 : memref<400xi32, #tpu.memory_space<vmem>>)
          tpu.yield
        }) : () -> ()
      } else {
      }
      %dma_wait3A_176 = arith.constant 0 : i32
      %dma_wait3A_177 = arith.constant 0 : i32
      %dma_wait3A_178 = tpu.memref_slice %arg2[%dma_wait3A_176, %dma_wait3A_177] : memref<10000x64xf32, #tpu.memory_space<hbm>> -> memref<10000x64xf32, #tpu.memory_space<hbm>>
      tpu.wait_indirect_dma semaphore(%arg17 : memref<!tpu.dma_semaphore, #tpu.memory_space<semaphore_mem>>) src(%dma_wait3A_178 : memref<10000x64xf32, #tpu.memory_space<hbm>>) dst(%arg15 : memref<400x64xf32, #tpu.memory_space<vmem>>)
      %add3A_179 = arith.constant 2 : i32
      %add3A_180 = arith.addi %mul3A_157, %add3A_179 : i32
      %lt3A_181 = arith.constant 25 : i32
      %lt3A_182 = arith.cmpi slt, %add3A_180, %lt3A_181 : i32
      %convert_element_type3A_183 = arith.extui %lt3A_182 : i1 to i32
      %cond3A_184 = arith.constant 0 : i32
      %cond3A_185 = arith.cmpi ne, %convert_element_type3A_183, %cond3A_184 : i32
      scf.if %cond3A_185 {
        %dma_start3A_186 = arith.constant 0 : i32
        %dma_start3A_187 = arith.constant 0 : i32
        %dma_start3A_188 = tpu.memref_slice %arg2[%dma_start3A_186, %dma_start3A_187] : memref<10000x64xf32, #tpu.memory_space<hbm>> -> memref<10000x64xf32, #tpu.memory_space<hbm>>
        tpu.enqueue_indirect_dma source(%dma_start3A_188 : memref<10000x64xf32, #tpu.memory_space<hbm>>) target(%arg14 : memref<400x64xf32, #tpu.memory_space<vmem>>) offsets(%arg10 : memref<400xi32, #tpu.memory_space<vmem>>) semaphore(%arg17 : memref<!tpu.dma_semaphore, #tpu.memory_space<semaphore_mem>>)
      } else {
      }
      "tpu.region"() ({
        %run_scoped3A = tpu.sem_alloc : memref<!tpu.dma_semaphore, #tpu.memory_space<semaphore_mem>>
        %dma_start3A_186 = arith.constant 0 : i32
        %dma_start3A_187 = arith.constant 0 : i32
        %dma_start3A_188 = tpu.memref_slice %arg9[%dma_start3A_186, %dma_start3A_187] : memref<10000x64xf32, #tpu.memory_space<vmem_shared>> -> memref<10000x64xf32, #tpu.memory_space<vmem_shared>>
        tpu.enqueue_indirect_dma source(%arg15 : memref<400x64xf32, #tpu.memory_space<vmem>>) target(%dma_start3A_188 : memref<10000x64xf32, #tpu.memory_space<vmem_shared>>) offsets(%arg13 : memref<400xi32, #tpu.memory_space<vmem>>) semaphore(%run_scoped3A : memref<!tpu.dma_semaphore, #tpu.memory_space<semaphore_mem>>) {add = true}
        %dma_wait3A_189 = arith.constant 0 : i32
        %dma_wait3A_190 = arith.constant 0 : i32
        %dma_wait3A_191 = tpu.memref_slice %arg9[%dma_wait3A_189, %dma_wait3A_190] : memref<10000x64xf32, #tpu.memory_space<vmem_shared>> -> memref<10000x64xf32, #tpu.memory_space<vmem_shared>>
        tpu.wait_indirect_dma semaphore(%run_scoped3A : memref<!tpu.dma_semaphore, #tpu.memory_space<semaphore_mem>>) src(%arg15 : memref<400x64xf32, #tpu.memory_space<vmem>>) dst(%dma_wait3A_191 : memref<10000x64xf32, #tpu.memory_space<vmem_shared>>)
        tpu.yield
      }) : () -> ()
      "tpu.region"() ({
        %run_scoped3A = tpu.sem_alloc : memref<!tpu.dma_semaphore, #tpu.memory_space<semaphore_mem>>
        %dma_start3A_186 = arith.constant 0 : i32
        %dma_start3A_187 = tpu.memref_slice %arg18[%dma_start3A_186] : memref<10000xf32, #tpu.memory_space<vmem_shared>> -> memref<10000xf32, #tpu.memory_space<vmem_shared>>
        tpu.enqueue_indirect_dma source(%arg19 : memref<400xf32, #tpu.memory_space<vmem>>) target(%dma_start3A_187 : memref<10000xf32, #tpu.memory_space<vmem_shared>>) offsets(%arg13 : memref<400xi32, #tpu.memory_space<vmem>>) semaphore(%run_scoped3A : memref<!tpu.dma_semaphore, #tpu.memory_space<semaphore_mem>>) {add = true}
        %dma_wait3A_188 = arith.constant 0 : i32
        %dma_wait3A_189 = tpu.memref_slice %arg18[%dma_wait3A_188] : memref<10000xf32, #tpu.memory_space<vmem_shared>> -> memref<10000xf32, #tpu.memory_space<vmem_shared>>
        tpu.wait_indirect_dma semaphore(%run_scoped3A : memref<!tpu.dma_semaphore, #tpu.memory_space<semaphore_mem>>) src(%arg19 : memref<400xf32, #tpu.memory_space<vmem>>) dst(%dma_wait3A_189 : memref<10000xf32, #tpu.memory_space<vmem_shared>>)
        tpu.yield
      }) : () -> ()
    }
    %scan3A_123 = arith.constant 12 : i32
    %dma_wait3A = arith.constant 0 : i32
    %dma_wait3A_124 = arith.constant 0 : i32
    %dma_wait3A_125 = tpu.memref_slice %arg2[%dma_wait3A, %dma_wait3A_124] : memref<10000x64xf32, #tpu.memory_space<hbm>> -> memref<10000x64xf32, #tpu.memory_space<hbm>>
    tpu.wait_indirect_dma semaphore(%arg17 : memref<!tpu.dma_semaphore, #tpu.memory_space<semaphore_mem>>) src(%dma_wait3A_125 : memref<10000x64xf32, #tpu.memory_space<hbm>>) dst(%arg14 : memref<400x64xf32, #tpu.memory_space<vmem>>)
    "tpu.region"() ({
      %run_scoped3A = tpu.sem_alloc : memref<!tpu.dma_semaphore, #tpu.memory_space<semaphore_mem>>
      %dma_start3A_155 = arith.constant 0 : i32
      %dma_start3A_156 = arith.constant 0 : i32
      %dma_start3A_157 = tpu.memref_slice %arg9[%dma_start3A_155, %dma_start3A_156] : memref<10000x64xf32, #tpu.memory_space<vmem_shared>> -> memref<10000x64xf32, #tpu.memory_space<vmem_shared>>
      tpu.enqueue_indirect_dma source(%arg14 : memref<400x64xf32, #tpu.memory_space<vmem>>) target(%dma_start3A_157 : memref<10000x64xf32, #tpu.memory_space<vmem_shared>>) offsets(%arg11 : memref<400xi32, #tpu.memory_space<vmem>>) semaphore(%run_scoped3A : memref<!tpu.dma_semaphore, #tpu.memory_space<semaphore_mem>>) {add = true}
      %dma_wait3A_158 = arith.constant 0 : i32
      %dma_wait3A_159 = arith.constant 0 : i32
      %dma_wait3A_160 = tpu.memref_slice %arg9[%dma_wait3A_158, %dma_wait3A_159] : memref<10000x64xf32, #tpu.memory_space<vmem_shared>> -> memref<10000x64xf32, #tpu.memory_space<vmem_shared>>
      tpu.wait_indirect_dma semaphore(%run_scoped3A : memref<!tpu.dma_semaphore, #tpu.memory_space<semaphore_mem>>) src(%arg14 : memref<400x64xf32, #tpu.memory_space<vmem>>) dst(%dma_wait3A_160 : memref<10000x64xf32, #tpu.memory_space<vmem_shared>>)
      tpu.yield
    }) : () -> ()
    "tpu.region"() ({
      %run_scoped3A = tpu.sem_alloc : memref<!tpu.dma_semaphore, #tpu.memory_space<semaphore_mem>>
      %dma_start3A_155 = arith.constant 0 : i32
      %dma_start3A_156 = tpu.memref_slice %arg18[%dma_start3A_155] : memref<10000xf32, #tpu.memory_space<vmem_shared>> -> memref<10000xf32, #tpu.memory_space<vmem_shared>>
      tpu.enqueue_indirect_dma source(%arg19 : memref<400xf32, #tpu.memory_space<vmem>>) target(%dma_start3A_156 : memref<10000xf32, #tpu.memory_space<vmem_shared>>) offsets(%arg11 : memref<400xi32, #tpu.memory_space<vmem>>) semaphore(%run_scoped3A : memref<!tpu.dma_semaphore, #tpu.memory_space<semaphore_mem>>) {add = true}
      %dma_wait3A_157 = arith.constant 0 : i32
      %dma_wait3A_158 = tpu.memref_slice %arg18[%dma_wait3A_157] : memref<10000xf32, #tpu.memory_space<vmem_shared>> -> memref<10000xf32, #tpu.memory_space<vmem_shared>>
      tpu.wait_indirect_dma semaphore(%run_scoped3A : memref<!tpu.dma_semaphore, #tpu.memory_space<semaphore_mem>>) src(%arg19 : memref<400xf32, #tpu.memory_space<vmem>>) dst(%dma_wait3A_158 : memref<10000xf32, #tpu.memory_space<vmem_shared>>)
      tpu.yield
    }) : () -> ()
    %barrier3A_126 = arith.constant 0 : index
    tpu.barrier barrier_id(%barrier3A_126)
    %add3A_127 = arith.constant 0 : i32
    %add3A_128 = arith.addi %mul3A_4, %add3A_127 : i32
    "tpu.region"() ({
      %run_scoped3A = tpu.sem_alloc : memref<!tpu.dma_semaphore, #tpu.memory_space<semaphore_mem>>
      %dma_start3A_155 = arith.constant 0 : i32
      %dma_start3A_156 = tpu.memref_slice %arg9[%add3A_128, %dma_start3A_155] : memref<10000x64xf32, #tpu.memory_space<vmem_shared>> -> memref<208x64xf32, #tpu.memory_space<vmem_shared>>
      %dma_start3A_157 = arith.constant 0 : i32
      %dma_start3A_158 = tpu.memref_slice %arg9[%add3A_128, %dma_start3A_157] : memref<10000x64xf32, #tpu.memory_space<vmem_shared>> -> memref<208x64xf32, #tpu.memory_space<vmem_shared>>
      tpu.enqueue_dma source(%dma_start3A_158 : memref<208x64xf32, #tpu.memory_space<vmem_shared>>) target(%arg16 : memref<208x64xf32, #tpu.memory_space<vmem>>) target_semaphore(%run_scoped3A : memref<!tpu.dma_semaphore, #tpu.memory_space<semaphore_mem>>)
      %dma_wait3A_159 = arith.constant 0 : i32
      %dma_wait3A_160 = tpu.memref_slice %arg9[%add3A_128, %dma_wait3A_159] : memref<10000x64xf32, #tpu.memory_space<vmem_shared>> -> memref<208x64xf32, #tpu.memory_space<vmem_shared>>
      %dma_wait3A_161 = arith.constant 0 : i32
      %dma_wait3A_162 = tpu.memref_slice %arg9[%add3A_128, %dma_wait3A_161] : memref<10000x64xf32, #tpu.memory_space<vmem_shared>> -> memref<208x64xf32, #tpu.memory_space<vmem_shared>>
      tpu.wait_dma2 semaphore(%run_scoped3A : memref<!tpu.dma_semaphore, #tpu.memory_space<semaphore_mem>>) src(%dma_wait3A_162 : memref<208x64xf32, #tpu.memory_space<vmem_shared>>) dst(%arg16 : memref<208x64xf32, #tpu.memory_space<vmem>>)
      tpu.yield
    }) : () -> ()
    %add3A_129 = arith.constant 0 : i32
    %add3A_130 = arith.addi %mul3A_4, %add3A_129 : i32
    %mul3A_131 = arith.constant 64 : i32
    %mul3A_132 = arith.muli %mul3A_131, %arg0 : i32
    "tpu.region"() ({
      %run_scoped3A = tpu.sem_alloc : memref<!tpu.dma_semaphore, #tpu.memory_space<semaphore_mem>>
      %dma_start3A_155 = tpu.memref_slice %arg7[%add3A_130, %mul3A_132] : memref<10000x128xf32, #tpu.memory_space<hbm>> -> memref<208x64xf32, #tpu.memory_space<hbm>>
      %dma_start3A_156 = tpu.memref_slice %arg7[%add3A_130, %mul3A_132] : memref<10000x128xf32, #tpu.memory_space<hbm>> -> memref<208x64xf32, #tpu.memory_space<hbm>>
      tpu.enqueue_dma source(%arg16 : memref<208x64xf32, #tpu.memory_space<vmem>>) target(%dma_start3A_156 : memref<208x64xf32, #tpu.memory_space<hbm>>) target_semaphore(%run_scoped3A : memref<!tpu.dma_semaphore, #tpu.memory_space<semaphore_mem>>)
      %dma_wait3A_157 = tpu.memref_slice %arg7[%add3A_130, %mul3A_132] : memref<10000x128xf32, #tpu.memory_space<hbm>> -> memref<208x64xf32, #tpu.memory_space<hbm>>
      %dma_wait3A_158 = tpu.memref_slice %arg7[%add3A_130, %mul3A_132] : memref<10000x128xf32, #tpu.memory_space<hbm>> -> memref<208x64xf32, #tpu.memory_space<hbm>>
      tpu.wait_dma2 semaphore(%run_scoped3A : memref<!tpu.dma_semaphore, #tpu.memory_space<semaphore_mem>>) src(%arg16 : memref<208x64xf32, #tpu.memory_space<vmem>>) dst(%dma_wait3A_158 : memref<208x64xf32, #tpu.memory_space<hbm>>)
      tpu.yield
    }) : () -> ()
    %add3A_133 = arith.constant 208 : i32
    %add3A_134 = arith.addi %mul3A_4, %add3A_133 : i32
    "tpu.region"() ({
      %run_scoped3A = tpu.sem_alloc : memref<!tpu.dma_semaphore, #tpu.memory_space<semaphore_mem>>
      %dma_start3A_155 = arith.constant 0 : i32
      %dma_start3A_156 = tpu.memref_slice %arg9[%add3A_134, %dma_start3A_155] : memref<10000x64xf32, #tpu.memory_space<vmem_shared>> -> memref<208x64xf32, #tpu.memory_space<vmem_shared>>
      %dma_start3A_157 = arith.constant 0 : i32
      %dma_start3A_158 = tpu.memref_slice %arg9[%add3A_134, %dma_start3A_157] : memref<10000x64xf32, #tpu.memory_space<vmem_shared>> -> memref<208x64xf32, #tpu.memory_space<vmem_shared>>
      tpu.enqueue_dma source(%dma_start3A_158 : memref<208x64xf32, #tpu.memory_space<vmem_shared>>) target(%arg16 : memref<208x64xf32, #tpu.memory_space<vmem>>) target_semaphore(%run_scoped3A : memref<!tpu.dma_semaphore, #tpu.memory_space<semaphore_mem>>)
      %dma_wait3A_159 = arith.constant 0 : i32
      %dma_wait3A_160 = tpu.memref_slice %arg9[%add3A_134, %dma_wait3A_159] : memref<10000x64xf32, #tpu.memory_space<vmem_shared>> -> memref<208x64xf32, #tpu.memory_space<vmem_shared>>
      %dma_wait3A_161 = arith.constant 0 : i32
      %dma_wait3A_162 = tpu.memref_slice %arg9[%add3A_134, %dma_wait3A_161] : memref<10000x64xf32, #tpu.memory_space<vmem_shared>> -> memref<208x64xf32, #tpu.memory_space<vmem_shared>>
      tpu.wait_dma2 semaphore(%run_scoped3A : memref<!tpu.dma_semaphore, #tpu.memory_space<semaphore_mem>>) src(%dma_wait3A_162 : memref<208x64xf32, #tpu.memory_space<vmem_shared>>) dst(%arg16 : memref<208x64xf32, #tpu.memory_space<vmem>>)
      tpu.yield
    }) : () -> ()
    %add3A_135 = arith.constant 208 : i32
    %add3A_136 = arith.addi %mul3A_4, %add3A_135 : i32
    %mul3A_137 = arith.constant 64 : i32
    %mul3A_138 = arith.muli %mul3A_137, %arg0 : i32
    "tpu.region"() ({
      %run_scoped3A = tpu.sem_alloc : memref<!tpu.dma_semaphore, #tpu.memory_space<semaphore_mem>>
      %dma_start3A_155 = tpu.memref_slice %arg7[%add3A_136, %mul3A_138] : memref<10000x128xf32, #tpu.memory_space<hbm>> -> memref<208x64xf32, #tpu.memory_space<hbm>>
      %dma_start3A_156 = tpu.memref_slice %arg7[%add3A_136, %mul3A_138] : memref<10000x128xf32, #tpu.memory_space<hbm>> -> memref<208x64xf32, #tpu.memory_space<hbm>>
      tpu.enqueue_dma source(%arg16 : memref<208x64xf32, #tpu.memory_space<vmem>>) target(%dma_start3A_156 : memref<208x64xf32, #tpu.memory_space<hbm>>) target_semaphore(%run_scoped3A : memref<!tpu.dma_semaphore, #tpu.memory_space<semaphore_mem>>)
      %dma_wait3A_157 = tpu.memref_slice %arg7[%add3A_136, %mul3A_138] : memref<10000x128xf32, #tpu.memory_space<hbm>> -> memref<208x64xf32, #tpu.memory_space<hbm>>
      %dma_wait3A_158 = tpu.memref_slice %arg7[%add3A_136, %mul3A_138] : memref<10000x128xf32, #tpu.memory_space<hbm>> -> memref<208x64xf32, #tpu.memory_space<hbm>>
      tpu.wait_dma2 semaphore(%run_scoped3A : memref<!tpu.dma_semaphore, #tpu.memory_space<semaphore_mem>>) src(%arg16 : memref<208x64xf32, #tpu.memory_space<vmem>>) dst(%dma_wait3A_158 : memref<208x64xf32, #tpu.memory_space<hbm>>)
      tpu.yield
    }) : () -> ()
    %add3A_139 = arith.constant 416 : i32
    %add3A_140 = arith.addi %mul3A_4, %add3A_139 : i32
    "tpu.region"() ({
      %run_scoped3A = tpu.sem_alloc : memref<!tpu.dma_semaphore, #tpu.memory_space<semaphore_mem>>
      %dma_start3A_155 = arith.constant 0 : i32
      %dma_start3A_156 = tpu.memref_slice %arg9[%add3A_140, %dma_start3A_155] : memref<10000x64xf32, #tpu.memory_space<vmem_shared>> -> memref<208x64xf32, #tpu.memory_space<vmem_shared>>
      %dma_start3A_157 = arith.constant 0 : i32
      %dma_start3A_158 = tpu.memref_slice %arg9[%add3A_140, %dma_start3A_157] : memref<10000x64xf32, #tpu.memory_space<vmem_shared>> -> memref<208x64xf32, #tpu.memory_space<vmem_shared>>
      tpu.enqueue_dma source(%dma_start3A_158 : memref<208x64xf32, #tpu.memory_space<vmem_shared>>) target(%arg16 : memref<208x64xf32, #tpu.memory_space<vmem>>) target_semaphore(%run_scoped3A : memref<!tpu.dma_semaphore, #tpu.memory_space<semaphore_mem>>)
      %dma_wait3A_159 = arith.constant 0 : i32
      %dma_wait3A_160 = tpu.memref_slice %arg9[%add3A_140, %dma_wait3A_159] : memref<10000x64xf32, #tpu.memory_space<vmem_shared>> -> memref<208x64xf32, #tpu.memory_space<vmem_shared>>
      %dma_wait3A_161 = arith.constant 0 : i32
      %dma_wait3A_162 = tpu.memref_slice %arg9[%add3A_140, %dma_wait3A_161] : memref<10000x64xf32, #tpu.memory_space<vmem_shared>> -> memref<208x64xf32, #tpu.memory_space<vmem_shared>>
      tpu.wait_dma2 semaphore(%run_scoped3A : memref<!tpu.dma_semaphore, #tpu.memory_space<semaphore_mem>>) src(%dma_wait3A_162 : memref<208x64xf32, #tpu.memory_space<vmem_shared>>) dst(%arg16 : memref<208x64xf32, #tpu.memory_space<vmem>>)
      tpu.yield
    }) : () -> ()
    %add3A_141 = arith.constant 416 : i32
    %add3A_142 = arith.addi %mul3A_4, %add3A_141 : i32
    %mul3A_143 = arith.constant 64 : i32
    %mul3A_144 = arith.muli %mul3A_143, %arg0 : i32
    "tpu.region"() ({
      %run_scoped3A = tpu.sem_alloc : memref<!tpu.dma_semaphore, #tpu.memory_space<semaphore_mem>>
      %dma_start3A_155 = tpu.memref_slice %arg7[%add3A_142, %mul3A_144] : memref<10000x128xf32, #tpu.memory_space<hbm>> -> memref<208x64xf32, #tpu.memory_space<hbm>>
      %dma_start3A_156 = tpu.memref_slice %arg7[%add3A_142, %mul3A_144] : memref<10000x128xf32, #tpu.memory_space<hbm>> -> memref<208x64xf32, #tpu.memory_space<hbm>>
      tpu.enqueue_dma source(%arg16 : memref<208x64xf32, #tpu.memory_space<vmem>>) target(%dma_start3A_156 : memref<208x64xf32, #tpu.memory_space<hbm>>) target_semaphore(%run_scoped3A : memref<!tpu.dma_semaphore, #tpu.memory_space<semaphore_mem>>)
      %dma_wait3A_157 = tpu.memref_slice %arg7[%add3A_142, %mul3A_144] : memref<10000x128xf32, #tpu.memory_space<hbm>> -> memref<208x64xf32, #tpu.memory_space<hbm>>
      %dma_wait3A_158 = tpu.memref_slice %arg7[%add3A_142, %mul3A_144] : memref<10000x128xf32, #tpu.memory_space<hbm>> -> memref<208x64xf32, #tpu.memory_space<hbm>>
      tpu.wait_dma2 semaphore(%run_scoped3A : memref<!tpu.dma_semaphore, #tpu.memory_space<semaphore_mem>>) src(%arg16 : memref<208x64xf32, #tpu.memory_space<vmem>>) dst(%dma_wait3A_158 : memref<208x64xf32, #tpu.memory_space<hbm>>)
      tpu.yield
    }) : () -> ()
    %eq3A_145 = arith.constant 15 : i32
    %eq3A_146 = arith.cmpi eq, %arg1, %eq3A_145 : i32
    %convert_element_type3A_147 = arith.extui %eq3A_146 : i1 to i32
    %cond3A_148 = arith.constant 0 : i32
    %cond3A_149 = arith.cmpi ne, %convert_element_type3A_147, %cond3A_148 : i32
    scf.if %cond3A_149 {
      "tpu.region"() ({
        %run_scoped3A = tpu.sem_alloc : memref<!tpu.dma_semaphore, #tpu.memory_space<semaphore_mem>>
        %dma_start3A_157 = arith.constant 0 : i32
        %dma_start3A_158 = arith.constant 0 : i32
        %dma_start3A_159 = tpu.memref_slice %arg16[%dma_start3A_157, %dma_start3A_158] : memref<208x64xf32, #tpu.memory_space<vmem>> -> memref<16x64xf32, #tpu.memory_space<vmem>>
        %dma_start3A_160 = arith.constant 9984 : i32
        %dma_start3A_161 = arith.constant 0 : i32
        %dma_start3A_162 = tpu.memref_slice %arg9[%dma_start3A_160, %dma_start3A_161] : memref<10000x64xf32, #tpu.memory_space<vmem_shared>> -> memref<16x64xf32, #tpu.memory_space<vmem_shared>>
        %dma_start3A_163 = arith.constant 0 : i32
        %dma_start3A_164 = arith.constant 0 : i32
        %dma_start3A_165 = tpu.memref_slice %arg16[%dma_start3A_163, %dma_start3A_164] : memref<208x64xf32, #tpu.memory_space<vmem>> -> memref<16x64xf32, #tpu.memory_space<vmem>>
        %dma_start3A_166 = arith.constant 9984 : i32
        %dma_start3A_167 = arith.constant 0 : i32
        %dma_start3A_168 = tpu.memref_slice %arg9[%dma_start3A_166, %dma_start3A_167] : memref<10000x64xf32, #tpu.memory_space<vmem_shared>> -> memref<16x64xf32, #tpu.memory_space<vmem_shared>>
        tpu.enqueue_dma source(%dma_start3A_168 : memref<16x64xf32, #tpu.memory_space<vmem_shared>>) target(%dma_start3A_165 : memref<16x64xf32, #tpu.memory_space<vmem>>) target_semaphore(%run_scoped3A : memref<!tpu.dma_semaphore, #tpu.memory_space<semaphore_mem>>)
        %dma_wait3A_169 = arith.constant 0 : i32
        %dma_wait3A_170 = arith.constant 0 : i32
        %dma_wait3A_171 = tpu.memref_slice %arg16[%dma_wait3A_169, %dma_wait3A_170] : memref<208x64xf32, #tpu.memory_space<vmem>> -> memref<16x64xf32, #tpu.memory_space<vmem>>
        %dma_wait3A_172 = arith.constant 9984 : i32
        %dma_wait3A_173 = arith.constant 0 : i32
        %dma_wait3A_174 = tpu.memref_slice %arg9[%dma_wait3A_172, %dma_wait3A_173] : memref<10000x64xf32, #tpu.memory_space<vmem_shared>> -> memref<16x64xf32, #tpu.memory_space<vmem_shared>>
        %dma_wait3A_175 = arith.constant 0 : i32
        %dma_wait3A_176 = arith.constant 0 : i32
        %dma_wait3A_177 = tpu.memref_slice %arg16[%dma_wait3A_175, %dma_wait3A_176] : memref<208x64xf32, #tpu.memory_space<vmem>> -> memref<16x64xf32, #tpu.memory_space<vmem>>
        %dma_wait3A_178 = arith.constant 9984 : i32
        %dma_wait3A_179 = arith.constant 0 : i32
        %dma_wait3A_180 = tpu.memref_slice %arg9[%dma_wait3A_178, %dma_wait3A_179] : memref<10000x64xf32, #tpu.memory_space<vmem_shared>> -> memref<16x64xf32, #tpu.memory_space<vmem_shared>>
        tpu.wait_dma2 semaphore(%run_scoped3A : memref<!tpu.dma_semaphore, #tpu.memory_space<semaphore_mem>>) src(%dma_wait3A_180 : memref<16x64xf32, #tpu.memory_space<vmem_shared>>) dst(%dma_wait3A_177 : memref<16x64xf32, #tpu.memory_space<vmem>>)
        tpu.yield
      }) : () -> ()
      %mul3A_155 = arith.constant 64 : i32
      %mul3A_156 = arith.muli %mul3A_155, %arg0 : i32
      "tpu.region"() ({
        %run_scoped3A = tpu.sem_alloc : memref<!tpu.dma_semaphore, #tpu.memory_space<semaphore_mem>>
        %dma_start3A_157 = arith.constant 0 : i32
        %dma_start3A_158 = arith.constant 0 : i32
        %dma_start3A_159 = tpu.memref_slice %arg16[%dma_start3A_157, %dma_start3A_158] : memref<208x64xf32, #tpu.memory_space<vmem>> -> memref<16x64xf32, #tpu.memory_space<vmem>>
        %dma_start3A_160 = arith.constant 9984 : i32
        %dma_start3A_161 = tpu.memref_slice %arg7[%dma_start3A_160, %mul3A_156] : memref<10000x128xf32, #tpu.memory_space<hbm>> -> memref<16x64xf32, #tpu.memory_space<hbm>>
        %dma_start3A_162 = arith.constant 9984 : i32
        %dma_start3A_163 = tpu.memref_slice %arg7[%dma_start3A_162, %mul3A_156] : memref<10000x128xf32, #tpu.memory_space<hbm>> -> memref<16x64xf32, #tpu.memory_space<hbm>>
        %dma_start3A_164 = arith.constant 0 : i32
        %dma_start3A_165 = arith.constant 0 : i32
        %dma_start3A_166 = tpu.memref_slice %arg16[%dma_start3A_164, %dma_start3A_165] : memref<208x64xf32, #tpu.memory_space<vmem>> -> memref<16x64xf32, #tpu.memory_space<vmem>>
        tpu.enqueue_dma source(%dma_start3A_166 : memref<16x64xf32, #tpu.memory_space<vmem>>) target(%dma_start3A_163 : memref<16x64xf32, #tpu.memory_space<hbm>>) target_semaphore(%run_scoped3A : memref<!tpu.dma_semaphore, #tpu.memory_space<semaphore_mem>>)
        %dma_wait3A_167 = arith.constant 0 : i32
        %dma_wait3A_168 = arith.constant 0 : i32
        %dma_wait3A_169 = tpu.memref_slice %arg16[%dma_wait3A_167, %dma_wait3A_168] : memref<208x64xf32, #tpu.memory_space<vmem>> -> memref<16x64xf32, #tpu.memory_space<vmem>>
        %dma_wait3A_170 = arith.constant 9984 : i32
        %dma_wait3A_171 = tpu.memref_slice %arg7[%dma_wait3A_170, %mul3A_156] : memref<10000x128xf32, #tpu.memory_space<hbm>> -> memref<16x64xf32, #tpu.memory_space<hbm>>
        %dma_wait3A_172 = arith.constant 9984 : i32
        %dma_wait3A_173 = tpu.memref_slice %arg7[%dma_wait3A_172, %mul3A_156] : memref<10000x128xf32, #tpu.memory_space<hbm>> -> memref<16x64xf32, #tpu.memory_space<hbm>>
        %dma_wait3A_174 = arith.constant 0 : i32
        %dma_wait3A_175 = arith.constant 0 : i32
        %dma_wait3A_176 = tpu.memref_slice %arg16[%dma_wait3A_174, %dma_wait3A_175] : memref<208x64xf32, #tpu.memory_space<vmem>> -> memref<16x64xf32, #tpu.memory_space<vmem>>
        tpu.wait_dma2 semaphore(%run_scoped3A : memref<!tpu.dma_semaphore, #tpu.memory_space<semaphore_mem>>) src(%dma_wait3A_176 : memref<16x64xf32, #tpu.memory_space<vmem>>) dst(%dma_wait3A_173 : memref<16x64xf32, #tpu.memory_space<hbm>>)
        tpu.yield
      }) : () -> ()
    } else {
    }
    %lt3A_150 = arith.constant 10 : i32
    %lt3A_151 = arith.cmpi slt, %arg1, %lt3A_150 : i32
    %convert_element_type3A_152 = arith.extui %lt3A_151 : i1 to i32
    %cond3A_153 = arith.constant 0 : i32
    %cond3A_154 = arith.cmpi ne, %convert_element_type3A_152, %cond3A_153 : i32
    scf.if %cond3A_154 {
      %mul3A_155 = arith.constant 1000 : i32
      %mul3A_156 = arith.muli %arg1, %mul3A_155 : i32
      "tpu.region"() ({
        %run_scoped3A = tpu.sem_alloc : memref<!tpu.dma_semaphore, #tpu.memory_space<semaphore_mem>>
        %dma_start3A_162 = tpu.memref_slice %arg18[%mul3A_156] : memref<10000xf32, #tpu.memory_space<vmem_shared>> -> memref<1000xf32, #tpu.memory_space<vmem_shared>>
        %dma_start3A_163 = tpu.memref_slice %arg18[%mul3A_156] : memref<10000xf32, #tpu.memory_space<vmem_shared>> -> memref<1000xf32, #tpu.memory_space<vmem_shared>>
        tpu.enqueue_dma source(%dma_start3A_163 : memref<1000xf32, #tpu.memory_space<vmem_shared>>) target(%arg20 : memref<1000xf32, #tpu.memory_space<vmem>>) target_semaphore(%run_scoped3A : memref<!tpu.dma_semaphore, #tpu.memory_space<semaphore_mem>>)
        %dma_wait3A_164 = tpu.memref_slice %arg18[%mul3A_156] : memref<10000xf32, #tpu.memory_space<vmem_shared>> -> memref<1000xf32, #tpu.memory_space<vmem_shared>>
        %dma_wait3A_165 = tpu.memref_slice %arg18[%mul3A_156] : memref<10000xf32, #tpu.memory_space<vmem_shared>> -> memref<1000xf32, #tpu.memory_space<vmem_shared>>
        tpu.wait_dma2 semaphore(%run_scoped3A : memref<!tpu.dma_semaphore, #tpu.memory_space<semaphore_mem>>) src(%dma_wait3A_165 : memref<1000xf32, #tpu.memory_space<vmem_shared>>) dst(%arg20 : memref<1000xf32, #tpu.memory_space<vmem>>)
        tpu.yield
      }) : () -> ()
      %mul3A_157 = arith.constant 10000 : i32
      %mul3A_158 = arith.muli %arg0, %mul3A_157 : i32
      %mul3A_159 = arith.constant 1000 : i32
      %mul3A_160 = arith.muli %arg1, %mul3A_159 : i32
      %add3A_161 = arith.addi %mul3A_158, %mul3A_160 : i32
      "tpu.region"() ({
        %run_scoped3A = tpu.sem_alloc : memref<!tpu.dma_semaphore, #tpu.memory_space<semaphore_mem>>
        %dma_start3A_162 = tpu.memref_slice %arg8[%add3A_161] : memref<20000xf32, #tpu.memory_space<hbm>> -> memref<1000xf32, #tpu.memory_space<hbm>>
        %dma_start3A_163 = tpu.memref_slice %arg8[%add3A_161] : memref<20000xf32, #tpu.memory_space<hbm>> -> memref<1000xf32, #tpu.memory_space<hbm>>
        tpu.enqueue_dma source(%arg20 : memref<1000xf32, #tpu.memory_space<vmem>>) target(%dma_start3A_163 : memref<1000xf32, #tpu.memory_space<hbm>>) target_semaphore(%run_scoped3A : memref<!tpu.dma_semaphore, #tpu.memory_space<semaphore_mem>>)
        %dma_wait3A_164 = tpu.memref_slice %arg8[%add3A_161] : memref<20000xf32, #tpu.memory_space<hbm>> -> memref<1000xf32, #tpu.memory_space<hbm>>
        %dma_wait3A_165 = tpu.memref_slice %arg8[%add3A_161] : memref<20000xf32, #tpu.memory_space<hbm>> -> memref<1000xf32, #tpu.memory_space<hbm>>
        tpu.wait_dma2 semaphore(%run_scoped3A : memref<!tpu.dma_semaphore, #tpu.memory_space<semaphore_mem>>) src(%arg20 : memref<1000xf32, #tpu.memory_space<vmem>>) dst(%dma_wait3A_165 : memref<1000xf32, #tpu.memory_space<hbm>>)
        tpu.yield
      }) : () -> ()
    } else {
    }
    return
  }
}

#map = affine_map<(d0, d1) -> (0, 0)>
#map1 = affine_map<(d0, d1) -> (0)>
module attributes {stable_mosaic.version = 14 : i64} {
  func.func @body(%arg0: i32, %arg1: i32, %arg2: memref<10000x32xf32, #tpu.memory_space<hbm>>, %arg3: memref<320000xi32, #tpu.memory_space<hbm>>, %arg4: memref<320000xi32, #tpu.memory_space<hbm>>, %arg5: memref<208x32xf32, #tpu.memory_space<hbm>>, %arg6: memref<1000xf32, #tpu.memory_space<hbm>>, %arg7: memref<10000x128xf32, #tpu.memory_space<hbm>>, %arg8: memref<10000x32xf32, #tpu.memory_space<vmem_shared>>, %arg9: memref<1000xi32, #tpu.memory_space<vmem>>, %arg10: memref<1000xi32, #tpu.memory_space<vmem>>, %arg11: memref<1000xi32, #tpu.memory_space<vmem>>, %arg12: memref<1000xi32, #tpu.memory_space<vmem>>, %arg13: memref<1000x32xf32, #tpu.memory_space<vmem>>, %arg14: memref<1000x32xf32, #tpu.memory_space<vmem>>, %arg15: memref<208x32xf32, #tpu.memory_space<vmem>>, %arg16: memref<!tpu.dma_semaphore, #tpu.memory_space<semaphore_mem>>) attributes {dimension_semantics = [#tpu.dimension_semantics<core_parallel>, #tpu.dimension_semantics<subcore_parallel>], iteration_bounds = array<i64: 2, 16>, scalar_prefetch = 0 : i64, scratch_operands = 9 : i64, tpu.core_type = #tpu.core_type<sc_vector_subcore>, window_params = [{transform_indices = #map}, {transform_indices = #map1}, {transform_indices = #map1}, {transform_indices = #map}, {transform_indices = #map1}, {transform_indices = #map}]} {
    %mul3A = arith.constant 2 : i32
    %mul3A_0 = arith.muli %arg1, %mul3A : i32
    %add3A = arith.addi %mul3A_0, %arg0 : i32
    %mul3A_1 = arith.constant 10000 : i32
    %mul3A_2 = arith.muli %add3A, %mul3A_1 : i32
    %mul3A_3 = arith.constant 624 : i32
    %mul3A_4 = arith.muli %arg1, %mul3A_3 : i32
    "tpu.region"() ({
      %run_scoped3A = tpu.sem_alloc : memref<!tpu.dma_semaphore, #tpu.memory_space<semaphore_mem>>
      tpu.enqueue_dma source(%arg5 : memref<208x32xf32, #tpu.memory_space<hbm>>) target(%arg15 : memref<208x32xf32, #tpu.memory_space<vmem>>) target_semaphore(%run_scoped3A : memref<!tpu.dma_semaphore, #tpu.memory_space<semaphore_mem>>)
      tpu.wait_dma2 semaphore(%run_scoped3A : memref<!tpu.dma_semaphore, #tpu.memory_space<semaphore_mem>>) src(%arg5 : memref<208x32xf32, #tpu.memory_space<hbm>>) dst(%arg15 : memref<208x32xf32, #tpu.memory_space<vmem>>)
      tpu.yield
    }) : () -> ()
    %add3A_5 = arith.constant 0 : i32
    %add3A_6 = arith.addi %mul3A_4, %add3A_5 : i32
    "tpu.region"() ({
      %run_scoped3A = tpu.sem_alloc : memref<!tpu.dma_semaphore, #tpu.memory_space<semaphore_mem>>
      %dma_start3A_44 = arith.constant 0 : i32
      %dma_start3A_45 = tpu.memref_slice %arg8[%add3A_6, %dma_start3A_44] : memref<10000x32xf32, #tpu.memory_space<vmem_shared>> -> memref<208x32xf32, #tpu.memory_space<vmem_shared>>
      %dma_start3A_46 = arith.constant 0 : i32
      %dma_start3A_47 = tpu.memref_slice %arg8[%add3A_6, %dma_start3A_46] : memref<10000x32xf32, #tpu.memory_space<vmem_shared>> -> memref<208x32xf32, #tpu.memory_space<vmem_shared>>
      tpu.enqueue_dma source(%arg15 : memref<208x32xf32, #tpu.memory_space<vmem>>) target(%dma_start3A_47 : memref<208x32xf32, #tpu.memory_space<vmem_shared>>) target_semaphore(%run_scoped3A : memref<!tpu.dma_semaphore, #tpu.memory_space<semaphore_mem>>)
      %dma_wait3A = arith.constant 0 : i32
      %dma_wait3A_48 = tpu.memref_slice %arg8[%add3A_6, %dma_wait3A] : memref<10000x32xf32, #tpu.memory_space<vmem_shared>> -> memref<208x32xf32, #tpu.memory_space<vmem_shared>>
      %dma_wait3A_49 = arith.constant 0 : i32
      %dma_wait3A_50 = tpu.memref_slice %arg8[%add3A_6, %dma_wait3A_49] : memref<10000x32xf32, #tpu.memory_space<vmem_shared>> -> memref<208x32xf32, #tpu.memory_space<vmem_shared>>
      tpu.wait_dma2 semaphore(%run_scoped3A : memref<!tpu.dma_semaphore, #tpu.memory_space<semaphore_mem>>) src(%arg15 : memref<208x32xf32, #tpu.memory_space<vmem>>) dst(%dma_wait3A_50 : memref<208x32xf32, #tpu.memory_space<vmem_shared>>)
      tpu.yield
    }) : () -> ()
    %add3A_7 = arith.constant 208 : i32
    %add3A_8 = arith.addi %mul3A_4, %add3A_7 : i32
    "tpu.region"() ({
      %run_scoped3A = tpu.sem_alloc : memref<!tpu.dma_semaphore, #tpu.memory_space<semaphore_mem>>
      %dma_start3A_44 = arith.constant 0 : i32
      %dma_start3A_45 = tpu.memref_slice %arg8[%add3A_8, %dma_start3A_44] : memref<10000x32xf32, #tpu.memory_space<vmem_shared>> -> memref<208x32xf32, #tpu.memory_space<vmem_shared>>
      %dma_start3A_46 = arith.constant 0 : i32
      %dma_start3A_47 = tpu.memref_slice %arg8[%add3A_8, %dma_start3A_46] : memref<10000x32xf32, #tpu.memory_space<vmem_shared>> -> memref<208x32xf32, #tpu.memory_space<vmem_shared>>
      tpu.enqueue_dma source(%arg15 : memref<208x32xf32, #tpu.memory_space<vmem>>) target(%dma_start3A_47 : memref<208x32xf32, #tpu.memory_space<vmem_shared>>) target_semaphore(%run_scoped3A : memref<!tpu.dma_semaphore, #tpu.memory_space<semaphore_mem>>)
      %dma_wait3A = arith.constant 0 : i32
      %dma_wait3A_48 = tpu.memref_slice %arg8[%add3A_8, %dma_wait3A] : memref<10000x32xf32, #tpu.memory_space<vmem_shared>> -> memref<208x32xf32, #tpu.memory_space<vmem_shared>>
      %dma_wait3A_49 = arith.constant 0 : i32
      %dma_wait3A_50 = tpu.memref_slice %arg8[%add3A_8, %dma_wait3A_49] : memref<10000x32xf32, #tpu.memory_space<vmem_shared>> -> memref<208x32xf32, #tpu.memory_space<vmem_shared>>
      tpu.wait_dma2 semaphore(%run_scoped3A : memref<!tpu.dma_semaphore, #tpu.memory_space<semaphore_mem>>) src(%arg15 : memref<208x32xf32, #tpu.memory_space<vmem>>) dst(%dma_wait3A_50 : memref<208x32xf32, #tpu.memory_space<vmem_shared>>)
      tpu.yield
    }) : () -> ()
    %add3A_9 = arith.constant 416 : i32
    %add3A_10 = arith.addi %mul3A_4, %add3A_9 : i32
    "tpu.region"() ({
      %run_scoped3A = tpu.sem_alloc : memref<!tpu.dma_semaphore, #tpu.memory_space<semaphore_mem>>
      %dma_start3A_44 = arith.constant 0 : i32
      %dma_start3A_45 = tpu.memref_slice %arg8[%add3A_10, %dma_start3A_44] : memref<10000x32xf32, #tpu.memory_space<vmem_shared>> -> memref<208x32xf32, #tpu.memory_space<vmem_shared>>
      %dma_start3A_46 = arith.constant 0 : i32
      %dma_start3A_47 = tpu.memref_slice %arg8[%add3A_10, %dma_start3A_46] : memref<10000x32xf32, #tpu.memory_space<vmem_shared>> -> memref<208x32xf32, #tpu.memory_space<vmem_shared>>
      tpu.enqueue_dma source(%arg15 : memref<208x32xf32, #tpu.memory_space<vmem>>) target(%dma_start3A_47 : memref<208x32xf32, #tpu.memory_space<vmem_shared>>) target_semaphore(%run_scoped3A : memref<!tpu.dma_semaphore, #tpu.memory_space<semaphore_mem>>)
      %dma_wait3A = arith.constant 0 : i32
      %dma_wait3A_48 = tpu.memref_slice %arg8[%add3A_10, %dma_wait3A] : memref<10000x32xf32, #tpu.memory_space<vmem_shared>> -> memref<208x32xf32, #tpu.memory_space<vmem_shared>>
      %dma_wait3A_49 = arith.constant 0 : i32
      %dma_wait3A_50 = tpu.memref_slice %arg8[%add3A_10, %dma_wait3A_49] : memref<10000x32xf32, #tpu.memory_space<vmem_shared>> -> memref<208x32xf32, #tpu.memory_space<vmem_shared>>
      tpu.wait_dma2 semaphore(%run_scoped3A : memref<!tpu.dma_semaphore, #tpu.memory_space<semaphore_mem>>) src(%arg15 : memref<208x32xf32, #tpu.memory_space<vmem>>) dst(%dma_wait3A_50 : memref<208x32xf32, #tpu.memory_space<vmem_shared>>)
      tpu.yield
    }) : () -> ()
    %eq3A = arith.constant 15 : i32
    %eq3A_11 = arith.cmpi eq, %arg1, %eq3A : i32
    %convert_element_type3A = arith.extui %eq3A_11 : i1 to i32
    %cond3A = arith.constant 0 : i32
    %cond3A_12 = arith.cmpi ne, %convert_element_type3A, %cond3A : i32
    scf.if %cond3A_12 {
      "tpu.region"() ({
        %run_scoped3A = tpu.sem_alloc : memref<!tpu.dma_semaphore, #tpu.memory_space<semaphore_mem>>
        %dma_start3A_44 = arith.constant 0 : i32
        %dma_start3A_45 = arith.constant 0 : i32
        %dma_start3A_46 = tpu.memref_slice %arg15[%dma_start3A_44, %dma_start3A_45] : memref<208x32xf32, #tpu.memory_space<vmem>> -> memref<16x32xf32, #tpu.memory_space<vmem>>
        %dma_start3A_47 = arith.constant 9984 : i32
        %dma_start3A_48 = arith.constant 0 : i32
        %dma_start3A_49 = tpu.memref_slice %arg8[%dma_start3A_47, %dma_start3A_48] : memref<10000x32xf32, #tpu.memory_space<vmem_shared>> -> memref<16x32xf32, #tpu.memory_space<vmem_shared>>
        %dma_start3A_50 = arith.constant 9984 : i32
        %dma_start3A_51 = arith.constant 0 : i32
        %dma_start3A_52 = tpu.memref_slice %arg8[%dma_start3A_50, %dma_start3A_51] : memref<10000x32xf32, #tpu.memory_space<vmem_shared>> -> memref<16x32xf32, #tpu.memory_space<vmem_shared>>
        %dma_start3A_53 = arith.constant 0 : i32
        %dma_start3A_54 = arith.constant 0 : i32
        %dma_start3A_55 = tpu.memref_slice %arg15[%dma_start3A_53, %dma_start3A_54] : memref<208x32xf32, #tpu.memory_space<vmem>> -> memref<16x32xf32, #tpu.memory_space<vmem>>
        tpu.enqueue_dma source(%dma_start3A_55 : memref<16x32xf32, #tpu.memory_space<vmem>>) target(%dma_start3A_52 : memref<16x32xf32, #tpu.memory_space<vmem_shared>>) target_semaphore(%run_scoped3A : memref<!tpu.dma_semaphore, #tpu.memory_space<semaphore_mem>>)
        %dma_wait3A = arith.constant 0 : i32
        %dma_wait3A_56 = arith.constant 0 : i32
        %dma_wait3A_57 = tpu.memref_slice %arg15[%dma_wait3A, %dma_wait3A_56] : memref<208x32xf32, #tpu.memory_space<vmem>> -> memref<16x32xf32, #tpu.memory_space<vmem>>
        %dma_wait3A_58 = arith.constant 9984 : i32
        %dma_wait3A_59 = arith.constant 0 : i32
        %dma_wait3A_60 = tpu.memref_slice %arg8[%dma_wait3A_58, %dma_wait3A_59] : memref<10000x32xf32, #tpu.memory_space<vmem_shared>> -> memref<16x32xf32, #tpu.memory_space<vmem_shared>>
        %dma_wait3A_61 = arith.constant 9984 : i32
        %dma_wait3A_62 = arith.constant 0 : i32
        %dma_wait3A_63 = tpu.memref_slice %arg8[%dma_wait3A_61, %dma_wait3A_62] : memref<10000x32xf32, #tpu.memory_space<vmem_shared>> -> memref<16x32xf32, #tpu.memory_space<vmem_shared>>
        %dma_wait3A_64 = arith.constant 0 : i32
        %dma_wait3A_65 = arith.constant 0 : i32
        %dma_wait3A_66 = tpu.memref_slice %arg15[%dma_wait3A_64, %dma_wait3A_65] : memref<208x32xf32, #tpu.memory_space<vmem>> -> memref<16x32xf32, #tpu.memory_space<vmem>>
        tpu.wait_dma2 semaphore(%run_scoped3A : memref<!tpu.dma_semaphore, #tpu.memory_space<semaphore_mem>>) src(%dma_wait3A_66 : memref<16x32xf32, #tpu.memory_space<vmem>>) dst(%dma_wait3A_63 : memref<16x32xf32, #tpu.memory_space<vmem_shared>>)
        tpu.yield
      }) : () -> ()
    } else {
    }
    %barrier3A = arith.constant 0 : index
    tpu.barrier barrier_id(%barrier3A)
    "tpu.region"() ({
      %run_scoped3A = tpu.sem_alloc : memref<!tpu.dma_semaphore, #tpu.memory_space<semaphore_mem>>
      %dma_start3A_44 = tpu.memref_slice %arg3[%mul3A_2] : memref<320000xi32, #tpu.memory_space<hbm>> -> memref<1000xi32, #tpu.memory_space<hbm>>
      %dma_start3A_45 = tpu.memref_slice %arg3[%mul3A_2] : memref<320000xi32, #tpu.memory_space<hbm>> -> memref<1000xi32, #tpu.memory_space<hbm>>
      tpu.enqueue_dma source(%dma_start3A_45 : memref<1000xi32, #tpu.memory_space<hbm>>) target(%arg9 : memref<1000xi32, #tpu.memory_space<vmem>>) target_semaphore(%run_scoped3A : memref<!tpu.dma_semaphore, #tpu.memory_space<semaphore_mem>>)
      %dma_wait3A = tpu.memref_slice %arg3[%mul3A_2] : memref<320000xi32, #tpu.memory_space<hbm>> -> memref<1000xi32, #tpu.memory_space<hbm>>
      %dma_wait3A_46 = tpu.memref_slice %arg3[%mul3A_2] : memref<320000xi32, #tpu.memory_space<hbm>> -> memref<1000xi32, #tpu.memory_space<hbm>>
      tpu.wait_dma2 semaphore(%run_scoped3A : memref<!tpu.dma_semaphore, #tpu.memory_space<semaphore_mem>>) src(%dma_wait3A_46 : memref<1000xi32, #tpu.memory_space<hbm>>) dst(%arg9 : memref<1000xi32, #tpu.memory_space<vmem>>)
      tpu.yield
    }) : () -> ()
    "tpu.region"() ({
      %run_scoped3A = tpu.sem_alloc : memref<!tpu.dma_semaphore, #tpu.memory_space<semaphore_mem>>
      %dma_start3A_44 = tpu.memref_slice %arg4[%mul3A_2] : memref<320000xi32, #tpu.memory_space<hbm>> -> memref<1000xi32, #tpu.memory_space<hbm>>
      %dma_start3A_45 = tpu.memref_slice %arg4[%mul3A_2] : memref<320000xi32, #tpu.memory_space<hbm>> -> memref<1000xi32, #tpu.memory_space<hbm>>
      tpu.enqueue_dma source(%dma_start3A_45 : memref<1000xi32, #tpu.memory_space<hbm>>) target(%arg10 : memref<1000xi32, #tpu.memory_space<vmem>>) target_semaphore(%run_scoped3A : memref<!tpu.dma_semaphore, #tpu.memory_space<semaphore_mem>>)
      %dma_wait3A = tpu.memref_slice %arg4[%mul3A_2] : memref<320000xi32, #tpu.memory_space<hbm>> -> memref<1000xi32, #tpu.memory_space<hbm>>
      %dma_wait3A_46 = tpu.memref_slice %arg4[%mul3A_2] : memref<320000xi32, #tpu.memory_space<hbm>> -> memref<1000xi32, #tpu.memory_space<hbm>>
      tpu.wait_dma2 semaphore(%run_scoped3A : memref<!tpu.dma_semaphore, #tpu.memory_space<semaphore_mem>>) src(%dma_wait3A_46 : memref<1000xi32, #tpu.memory_space<hbm>>) dst(%arg10 : memref<1000xi32, #tpu.memory_space<vmem>>)
      tpu.yield
    }) : () -> ()
    %dma_start3A = arith.constant 0 : i32
    %dma_start3A_13 = arith.constant 0 : i32
    %dma_start3A_14 = tpu.memref_slice %arg2[%dma_start3A, %dma_start3A_13] : memref<10000x32xf32, #tpu.memory_space<hbm>> -> memref<10000x32xf32, #tpu.memory_space<hbm>>
    tpu.enqueue_indirect_dma source(%dma_start3A_14 : memref<10000x32xf32, #tpu.memory_space<hbm>>) target(%arg13 : memref<1000x32xf32, #tpu.memory_space<vmem>>) offsets(%arg9 : memref<1000xi32, #tpu.memory_space<vmem>>) semaphore(%arg16 : memref<!tpu.dma_semaphore, #tpu.memory_space<semaphore_mem>>)
    %scan3A = arith.constant 0 : i32
    %scan3A_15 = arith.constant 0 : i32
    %scan3A_16 = arith.constant 5 : i32
    %scan3A_17 = arith.addi %scan3A_15, %scan3A_16 : i32
    %scan3A_18 = arith.constant 1 : i32
    scf.for %scan3A_44 = %scan3A_15 to %scan3A_17 step %scan3A_18  : i32 {
      %mul3A_45 = arith.constant 2 : i32
      %mul3A_46 = arith.muli %mul3A_45, %scan3A_44 : i32
      %add3A_47 = arith.constant 1 : i32
      %add3A_48 = arith.addi %mul3A_46, %add3A_47 : i32
      %mul3A_49 = arith.constant 1000 : i32
      %mul3A_50 = arith.muli %add3A_48, %mul3A_49 : i32
      %add3A_51 = arith.addi %mul3A_2, %mul3A_50 : i32
      "tpu.region"() ({
        %run_scoped3A = tpu.sem_alloc : memref<!tpu.dma_semaphore, #tpu.memory_space<semaphore_mem>>
        %dma_start3A_73 = tpu.memref_slice %arg3[%add3A_51] : memref<320000xi32, #tpu.memory_space<hbm>> -> memref<1000xi32, #tpu.memory_space<hbm>>
        %dma_start3A_74 = tpu.memref_slice %arg3[%add3A_51] : memref<320000xi32, #tpu.memory_space<hbm>> -> memref<1000xi32, #tpu.memory_space<hbm>>
        tpu.enqueue_dma source(%dma_start3A_74 : memref<1000xi32, #tpu.memory_space<hbm>>) target(%arg11 : memref<1000xi32, #tpu.memory_space<vmem>>) target_semaphore(%run_scoped3A : memref<!tpu.dma_semaphore, #tpu.memory_space<semaphore_mem>>)
        %dma_wait3A_75 = tpu.memref_slice %arg3[%add3A_51] : memref<320000xi32, #tpu.memory_space<hbm>> -> memref<1000xi32, #tpu.memory_space<hbm>>
        %dma_wait3A_76 = tpu.memref_slice %arg3[%add3A_51] : memref<320000xi32, #tpu.memory_space<hbm>> -> memref<1000xi32, #tpu.memory_space<hbm>>
        tpu.wait_dma2 semaphore(%run_scoped3A : memref<!tpu.dma_semaphore, #tpu.memory_space<semaphore_mem>>) src(%dma_wait3A_76 : memref<1000xi32, #tpu.memory_space<hbm>>) dst(%arg11 : memref<1000xi32, #tpu.memory_space<vmem>>)
        tpu.yield
      }) : () -> ()
      "tpu.region"() ({
        %run_scoped3A = tpu.sem_alloc : memref<!tpu.dma_semaphore, #tpu.memory_space<semaphore_mem>>
        %dma_start3A_73 = tpu.memref_slice %arg4[%add3A_51] : memref<320000xi32, #tpu.memory_space<hbm>> -> memref<1000xi32, #tpu.memory_space<hbm>>
        %dma_start3A_74 = tpu.memref_slice %arg4[%add3A_51] : memref<320000xi32, #tpu.memory_space<hbm>> -> memref<1000xi32, #tpu.memory_space<hbm>>
        tpu.enqueue_dma source(%dma_start3A_74 : memref<1000xi32, #tpu.memory_space<hbm>>) target(%arg12 : memref<1000xi32, #tpu.memory_space<vmem>>) target_semaphore(%run_scoped3A : memref<!tpu.dma_semaphore, #tpu.memory_space<semaphore_mem>>)
        %dma_wait3A_75 = tpu.memref_slice %arg4[%add3A_51] : memref<320000xi32, #tpu.memory_space<hbm>> -> memref<1000xi32, #tpu.memory_space<hbm>>
        %dma_wait3A_76 = tpu.memref_slice %arg4[%add3A_51] : memref<320000xi32, #tpu.memory_space<hbm>> -> memref<1000xi32, #tpu.memory_space<hbm>>
        tpu.wait_dma2 semaphore(%run_scoped3A : memref<!tpu.dma_semaphore, #tpu.memory_space<semaphore_mem>>) src(%dma_wait3A_76 : memref<1000xi32, #tpu.memory_space<hbm>>) dst(%arg12 : memref<1000xi32, #tpu.memory_space<vmem>>)
        tpu.yield
      }) : () -> ()
      %dma_wait3A = arith.constant 0 : i32
      %dma_wait3A_52 = arith.constant 0 : i32
      %dma_wait3A_53 = tpu.memref_slice %arg2[%dma_wait3A, %dma_wait3A_52] : memref<10000x32xf32, #tpu.memory_space<hbm>> -> memref<10000x32xf32, #tpu.memory_space<hbm>>
      tpu.wait_indirect_dma semaphore(%arg16 : memref<!tpu.dma_semaphore, #tpu.memory_space<semaphore_mem>>) src(%dma_wait3A_53 : memref<10000x32xf32, #tpu.memory_space<hbm>>) dst(%arg13 : memref<1000x32xf32, #tpu.memory_space<vmem>>)
      %dma_start3A_54 = arith.constant 0 : i32
      %dma_start3A_55 = arith.constant 0 : i32
      %dma_start3A_56 = tpu.memref_slice %arg2[%dma_start3A_54, %dma_start3A_55] : memref<10000x32xf32, #tpu.memory_space<hbm>> -> memref<10000x32xf32, #tpu.memory_space<hbm>>
      tpu.enqueue_indirect_dma source(%dma_start3A_56 : memref<10000x32xf32, #tpu.memory_space<hbm>>) target(%arg14 : memref<1000x32xf32, #tpu.memory_space<vmem>>) offsets(%arg11 : memref<1000xi32, #tpu.memory_space<vmem>>) semaphore(%arg16 : memref<!tpu.dma_semaphore, #tpu.memory_space<semaphore_mem>>)
      "tpu.region"() ({
        %run_scoped3A = tpu.sem_alloc : memref<!tpu.dma_semaphore, #tpu.memory_space<semaphore_mem>>
        %dma_start3A_73 = arith.constant 0 : i32
        %dma_start3A_74 = arith.constant 0 : i32
        %dma_start3A_75 = tpu.memref_slice %arg8[%dma_start3A_73, %dma_start3A_74] : memref<10000x32xf32, #tpu.memory_space<vmem_shared>> -> memref<10000x32xf32, #tpu.memory_space<vmem_shared>>
        tpu.enqueue_indirect_dma source(%arg13 : memref<1000x32xf32, #tpu.memory_space<vmem>>) target(%dma_start3A_75 : memref<10000x32xf32, #tpu.memory_space<vmem_shared>>) offsets(%arg10 : memref<1000xi32, #tpu.memory_space<vmem>>) semaphore(%run_scoped3A : memref<!tpu.dma_semaphore, #tpu.memory_space<semaphore_mem>>) {add = true}
        %dma_wait3A_76 = arith.constant 0 : i32
        %dma_wait3A_77 = arith.constant 0 : i32
        %dma_wait3A_78 = tpu.memref_slice %arg8[%dma_wait3A_76, %dma_wait3A_77] : memref<10000x32xf32, #tpu.memory_space<vmem_shared>> -> memref<10000x32xf32, #tpu.memory_space<vmem_shared>>
        tpu.wait_indirect_dma semaphore(%run_scoped3A : memref<!tpu.dma_semaphore, #tpu.memory_space<semaphore_mem>>) src(%arg13 : memref<1000x32xf32, #tpu.memory_space<vmem>>) dst(%dma_wait3A_78 : memref<10000x32xf32, #tpu.memory_space<vmem_shared>>)
        tpu.yield
      }) : () -> ()
      %add3A_57 = arith.constant 2 : i32
      %add3A_58 = arith.addi %mul3A_46, %add3A_57 : i32
      %lt3A = arith.constant 10 : i32
      %lt3A_59 = arith.cmpi slt, %add3A_58, %lt3A : i32
      %convert_element_type3A_60 = arith.extui %lt3A_59 : i1 to i32
      %cond3A_61 = arith.constant 0 : i32
      %cond3A_62 = arith.cmpi ne, %convert_element_type3A_60, %cond3A_61 : i32
      scf.if %cond3A_62 {
        %add3A_73 = arith.constant 2 : i32
        %add3A_74 = arith.addi %mul3A_46, %add3A_73 : i32
        %mul3A_75 = arith.constant 1000 : i32
        %mul3A_76 = arith.muli %add3A_74, %mul3A_75 : i32
        %add3A_77 = arith.addi %mul3A_2, %mul3A_76 : i32
        "tpu.region"() ({
          %run_scoped3A = tpu.sem_alloc : memref<!tpu.dma_semaphore, #tpu.memory_space<semaphore_mem>>
          %dma_start3A_78 = tpu.memref_slice %arg3[%add3A_77] : memref<320000xi32, #tpu.memory_space<hbm>> -> memref<1000xi32, #tpu.memory_space<hbm>>
          %dma_start3A_79 = tpu.memref_slice %arg3[%add3A_77] : memref<320000xi32, #tpu.memory_space<hbm>> -> memref<1000xi32, #tpu.memory_space<hbm>>
          tpu.enqueue_dma source(%dma_start3A_79 : memref<1000xi32, #tpu.memory_space<hbm>>) target(%arg9 : memref<1000xi32, #tpu.memory_space<vmem>>) target_semaphore(%run_scoped3A : memref<!tpu.dma_semaphore, #tpu.memory_space<semaphore_mem>>)
          %dma_wait3A_80 = tpu.memref_slice %arg3[%add3A_77] : memref<320000xi32, #tpu.memory_space<hbm>> -> memref<1000xi32, #tpu.memory_space<hbm>>
          %dma_wait3A_81 = tpu.memref_slice %arg3[%add3A_77] : memref<320000xi32, #tpu.memory_space<hbm>> -> memref<1000xi32, #tpu.memory_space<hbm>>
          tpu.wait_dma2 semaphore(%run_scoped3A : memref<!tpu.dma_semaphore, #tpu.memory_space<semaphore_mem>>) src(%dma_wait3A_81 : memref<1000xi32, #tpu.memory_space<hbm>>) dst(%arg9 : memref<1000xi32, #tpu.memory_space<vmem>>)
          tpu.yield
        }) : () -> ()
        "tpu.region"() ({
          %run_scoped3A = tpu.sem_alloc : memref<!tpu.dma_semaphore, #tpu.memory_space<semaphore_mem>>
          %dma_start3A_78 = tpu.memref_slice %arg4[%add3A_77] : memref<320000xi32, #tpu.memory_space<hbm>> -> memref<1000xi32, #tpu.memory_space<hbm>>
          %dma_start3A_79 = tpu.memref_slice %arg4[%add3A_77] : memref<320000xi32, #tpu.memory_space<hbm>> -> memref<1000xi32, #tpu.memory_space<hbm>>
          tpu.enqueue_dma source(%dma_start3A_79 : memref<1000xi32, #tpu.memory_space<hbm>>) target(%arg10 : memref<1000xi32, #tpu.memory_space<vmem>>) target_semaphore(%run_scoped3A : memref<!tpu.dma_semaphore, #tpu.memory_space<semaphore_mem>>)
          %dma_wait3A_80 = tpu.memref_slice %arg4[%add3A_77] : memref<320000xi32, #tpu.memory_space<hbm>> -> memref<1000xi32, #tpu.memory_space<hbm>>
          %dma_wait3A_81 = tpu.memref_slice %arg4[%add3A_77] : memref<320000xi32, #tpu.memory_space<hbm>> -> memref<1000xi32, #tpu.memory_space<hbm>>
          tpu.wait_dma2 semaphore(%run_scoped3A : memref<!tpu.dma_semaphore, #tpu.memory_space<semaphore_mem>>) src(%dma_wait3A_81 : memref<1000xi32, #tpu.memory_space<hbm>>) dst(%arg10 : memref<1000xi32, #tpu.memory_space<vmem>>)
          tpu.yield
        }) : () -> ()
      } else {
      }
      %dma_wait3A_63 = arith.constant 0 : i32
      %dma_wait3A_64 = arith.constant 0 : i32
      %dma_wait3A_65 = tpu.memref_slice %arg2[%dma_wait3A_63, %dma_wait3A_64] : memref<10000x32xf32, #tpu.memory_space<hbm>> -> memref<10000x32xf32, #tpu.memory_space<hbm>>
      tpu.wait_indirect_dma semaphore(%arg16 : memref<!tpu.dma_semaphore, #tpu.memory_space<semaphore_mem>>) src(%dma_wait3A_65 : memref<10000x32xf32, #tpu.memory_space<hbm>>) dst(%arg14 : memref<1000x32xf32, #tpu.memory_space<vmem>>)
      %add3A_66 = arith.constant 2 : i32
      %add3A_67 = arith.addi %mul3A_46, %add3A_66 : i32
      %lt3A_68 = arith.constant 10 : i32
      %lt3A_69 = arith.cmpi slt, %add3A_67, %lt3A_68 : i32
      %convert_element_type3A_70 = arith.extui %lt3A_69 : i1 to i32
      %cond3A_71 = arith.constant 0 : i32
      %cond3A_72 = arith.cmpi ne, %convert_element_type3A_70, %cond3A_71 : i32
      scf.if %cond3A_72 {
        %dma_start3A_73 = arith.constant 0 : i32
        %dma_start3A_74 = arith.constant 0 : i32
        %dma_start3A_75 = tpu.memref_slice %arg2[%dma_start3A_73, %dma_start3A_74] : memref<10000x32xf32, #tpu.memory_space<hbm>> -> memref<10000x32xf32, #tpu.memory_space<hbm>>
        tpu.enqueue_indirect_dma source(%dma_start3A_75 : memref<10000x32xf32, #tpu.memory_space<hbm>>) target(%arg13 : memref<1000x32xf32, #tpu.memory_space<vmem>>) offsets(%arg9 : memref<1000xi32, #tpu.memory_space<vmem>>) semaphore(%arg16 : memref<!tpu.dma_semaphore, #tpu.memory_space<semaphore_mem>>)
      } else {
      }
      "tpu.region"() ({
        %run_scoped3A = tpu.sem_alloc : memref<!tpu.dma_semaphore, #tpu.memory_space<semaphore_mem>>
        %dma_start3A_73 = arith.constant 0 : i32
        %dma_start3A_74 = arith.constant 0 : i32
        %dma_start3A_75 = tpu.memref_slice %arg8[%dma_start3A_73, %dma_start3A_74] : memref<10000x32xf32, #tpu.memory_space<vmem_shared>> -> memref<10000x32xf32, #tpu.memory_space<vmem_shared>>
        tpu.enqueue_indirect_dma source(%arg14 : memref<1000x32xf32, #tpu.memory_space<vmem>>) target(%dma_start3A_75 : memref<10000x32xf32, #tpu.memory_space<vmem_shared>>) offsets(%arg12 : memref<1000xi32, #tpu.memory_space<vmem>>) semaphore(%run_scoped3A : memref<!tpu.dma_semaphore, #tpu.memory_space<semaphore_mem>>) {add = true}
        %dma_wait3A_76 = arith.constant 0 : i32
        %dma_wait3A_77 = arith.constant 0 : i32
        %dma_wait3A_78 = tpu.memref_slice %arg8[%dma_wait3A_76, %dma_wait3A_77] : memref<10000x32xf32, #tpu.memory_space<vmem_shared>> -> memref<10000x32xf32, #tpu.memory_space<vmem_shared>>
        tpu.wait_indirect_dma semaphore(%run_scoped3A : memref<!tpu.dma_semaphore, #tpu.memory_space<semaphore_mem>>) src(%arg14 : memref<1000x32xf32, #tpu.memory_space<vmem>>) dst(%dma_wait3A_78 : memref<10000x32xf32, #tpu.memory_space<vmem_shared>>)
        tpu.yield
      }) : () -> ()
    }
    %scan3A_19 = arith.constant 5 : i32
    %barrier3A_20 = arith.constant 0 : index
    tpu.barrier barrier_id(%barrier3A_20)
    %add3A_21 = arith.constant 0 : i32
    %add3A_22 = arith.addi %mul3A_4, %add3A_21 : i32
    "tpu.region"() ({
      %run_scoped3A = tpu.sem_alloc : memref<!tpu.dma_semaphore, #tpu.memory_space<semaphore_mem>>
      %dma_start3A_44 = arith.constant 0 : i32
      %dma_start3A_45 = tpu.memref_slice %arg8[%add3A_22, %dma_start3A_44] : memref<10000x32xf32, #tpu.memory_space<vmem_shared>> -> memref<208x32xf32, #tpu.memory_space<vmem_shared>>
      %dma_start3A_46 = arith.constant 0 : i32
      %dma_start3A_47 = tpu.memref_slice %arg8[%add3A_22, %dma_start3A_46] : memref<10000x32xf32, #tpu.memory_space<vmem_shared>> -> memref<208x32xf32, #tpu.memory_space<vmem_shared>>
      tpu.enqueue_dma source(%dma_start3A_47 : memref<208x32xf32, #tpu.memory_space<vmem_shared>>) target(%arg15 : memref<208x32xf32, #tpu.memory_space<vmem>>) target_semaphore(%run_scoped3A : memref<!tpu.dma_semaphore, #tpu.memory_space<semaphore_mem>>)
      %dma_wait3A = arith.constant 0 : i32
      %dma_wait3A_48 = tpu.memref_slice %arg8[%add3A_22, %dma_wait3A] : memref<10000x32xf32, #tpu.memory_space<vmem_shared>> -> memref<208x32xf32, #tpu.memory_space<vmem_shared>>
      %dma_wait3A_49 = arith.constant 0 : i32
      %dma_wait3A_50 = tpu.memref_slice %arg8[%add3A_22, %dma_wait3A_49] : memref<10000x32xf32, #tpu.memory_space<vmem_shared>> -> memref<208x32xf32, #tpu.memory_space<vmem_shared>>
      tpu.wait_dma2 semaphore(%run_scoped3A : memref<!tpu.dma_semaphore, #tpu.memory_space<semaphore_mem>>) src(%dma_wait3A_50 : memref<208x32xf32, #tpu.memory_space<vmem_shared>>) dst(%arg15 : memref<208x32xf32, #tpu.memory_space<vmem>>)
      tpu.yield
    }) : () -> ()
    %add3A_23 = arith.constant 0 : i32
    %add3A_24 = arith.addi %mul3A_4, %add3A_23 : i32
    %mul3A_25 = arith.constant 32 : i32
    %mul3A_26 = arith.muli %mul3A_25, %arg0 : i32
    "tpu.region"() ({
      %run_scoped3A = tpu.sem_alloc : memref<!tpu.dma_semaphore, #tpu.memory_space<semaphore_mem>>
      %dma_start3A_44 = tpu.memref_slice %arg7[%add3A_24, %mul3A_26] : memref<10000x128xf32, #tpu.memory_space<hbm>> -> memref<208x32xf32, #tpu.memory_space<hbm>>
      %dma_start3A_45 = tpu.memref_slice %arg7[%add3A_24, %mul3A_26] : memref<10000x128xf32, #tpu.memory_space<hbm>> -> memref<208x32xf32, #tpu.memory_space<hbm>>
      tpu.enqueue_dma source(%arg15 : memref<208x32xf32, #tpu.memory_space<vmem>>) target(%dma_start3A_45 : memref<208x32xf32, #tpu.memory_space<hbm>>) target_semaphore(%run_scoped3A : memref<!tpu.dma_semaphore, #tpu.memory_space<semaphore_mem>>)
      %dma_wait3A = tpu.memref_slice %arg7[%add3A_24, %mul3A_26] : memref<10000x128xf32, #tpu.memory_space<hbm>> -> memref<208x32xf32, #tpu.memory_space<hbm>>
      %dma_wait3A_46 = tpu.memref_slice %arg7[%add3A_24, %mul3A_26] : memref<10000x128xf32, #tpu.memory_space<hbm>> -> memref<208x32xf32, #tpu.memory_space<hbm>>
      tpu.wait_dma2 semaphore(%run_scoped3A : memref<!tpu.dma_semaphore, #tpu.memory_space<semaphore_mem>>) src(%arg15 : memref<208x32xf32, #tpu.memory_space<vmem>>) dst(%dma_wait3A_46 : memref<208x32xf32, #tpu.memory_space<hbm>>)
      tpu.yield
    }) : () -> ()
    %add3A_27 = arith.constant 208 : i32
    %add3A_28 = arith.addi %mul3A_4, %add3A_27 : i32
    "tpu.region"() ({
      %run_scoped3A = tpu.sem_alloc : memref<!tpu.dma_semaphore, #tpu.memory_space<semaphore_mem>>
      %dma_start3A_44 = arith.constant 0 : i32
      %dma_start3A_45 = tpu.memref_slice %arg8[%add3A_28, %dma_start3A_44] : memref<10000x32xf32, #tpu.memory_space<vmem_shared>> -> memref<208x32xf32, #tpu.memory_space<vmem_shared>>
      %dma_start3A_46 = arith.constant 0 : i32
      %dma_start3A_47 = tpu.memref_slice %arg8[%add3A_28, %dma_start3A_46] : memref<10000x32xf32, #tpu.memory_space<vmem_shared>> -> memref<208x32xf32, #tpu.memory_space<vmem_shared>>
      tpu.enqueue_dma source(%dma_start3A_47 : memref<208x32xf32, #tpu.memory_space<vmem_shared>>) target(%arg15 : memref<208x32xf32, #tpu.memory_space<vmem>>) target_semaphore(%run_scoped3A : memref<!tpu.dma_semaphore, #tpu.memory_space<semaphore_mem>>)
      %dma_wait3A = arith.constant 0 : i32
      %dma_wait3A_48 = tpu.memref_slice %arg8[%add3A_28, %dma_wait3A] : memref<10000x32xf32, #tpu.memory_space<vmem_shared>> -> memref<208x32xf32, #tpu.memory_space<vmem_shared>>
      %dma_wait3A_49 = arith.constant 0 : i32
      %dma_wait3A_50 = tpu.memref_slice %arg8[%add3A_28, %dma_wait3A_49] : memref<10000x32xf32, #tpu.memory_space<vmem_shared>> -> memref<208x32xf32, #tpu.memory_space<vmem_shared>>
      tpu.wait_dma2 semaphore(%run_scoped3A : memref<!tpu.dma_semaphore, #tpu.memory_space<semaphore_mem>>) src(%dma_wait3A_50 : memref<208x32xf32, #tpu.memory_space<vmem_shared>>) dst(%arg15 : memref<208x32xf32, #tpu.memory_space<vmem>>)
      tpu.yield
    }) : () -> ()
    %add3A_29 = arith.constant 208 : i32
    %add3A_30 = arith.addi %mul3A_4, %add3A_29 : i32
    %mul3A_31 = arith.constant 32 : i32
    %mul3A_32 = arith.muli %mul3A_31, %arg0 : i32
    "tpu.region"() ({
      %run_scoped3A = tpu.sem_alloc : memref<!tpu.dma_semaphore, #tpu.memory_space<semaphore_mem>>
      %dma_start3A_44 = tpu.memref_slice %arg7[%add3A_30, %mul3A_32] : memref<10000x128xf32, #tpu.memory_space<hbm>> -> memref<208x32xf32, #tpu.memory_space<hbm>>
      %dma_start3A_45 = tpu.memref_slice %arg7[%add3A_30, %mul3A_32] : memref<10000x128xf32, #tpu.memory_space<hbm>> -> memref<208x32xf32, #tpu.memory_space<hbm>>
      tpu.enqueue_dma source(%arg15 : memref<208x32xf32, #tpu.memory_space<vmem>>) target(%dma_start3A_45 : memref<208x32xf32, #tpu.memory_space<hbm>>) target_semaphore(%run_scoped3A : memref<!tpu.dma_semaphore, #tpu.memory_space<semaphore_mem>>)
      %dma_wait3A = tpu.memref_slice %arg7[%add3A_30, %mul3A_32] : memref<10000x128xf32, #tpu.memory_space<hbm>> -> memref<208x32xf32, #tpu.memory_space<hbm>>
      %dma_wait3A_46 = tpu.memref_slice %arg7[%add3A_30, %mul3A_32] : memref<10000x128xf32, #tpu.memory_space<hbm>> -> memref<208x32xf32, #tpu.memory_space<hbm>>
      tpu.wait_dma2 semaphore(%run_scoped3A : memref<!tpu.dma_semaphore, #tpu.memory_space<semaphore_mem>>) src(%arg15 : memref<208x32xf32, #tpu.memory_space<vmem>>) dst(%dma_wait3A_46 : memref<208x32xf32, #tpu.memory_space<hbm>>)
      tpu.yield
    }) : () -> ()
    %add3A_33 = arith.constant 416 : i32
    %add3A_34 = arith.addi %mul3A_4, %add3A_33 : i32
    "tpu.region"() ({
      %run_scoped3A = tpu.sem_alloc : memref<!tpu.dma_semaphore, #tpu.memory_space<semaphore_mem>>
      %dma_start3A_44 = arith.constant 0 : i32
      %dma_start3A_45 = tpu.memref_slice %arg8[%add3A_34, %dma_start3A_44] : memref<10000x32xf32, #tpu.memory_space<vmem_shared>> -> memref<208x32xf32, #tpu.memory_space<vmem_shared>>
      %dma_start3A_46 = arith.constant 0 : i32
      %dma_start3A_47 = tpu.memref_slice %arg8[%add3A_34, %dma_start3A_46] : memref<10000x32xf32, #tpu.memory_space<vmem_shared>> -> memref<208x32xf32, #tpu.memory_space<vmem_shared>>
      tpu.enqueue_dma source(%dma_start3A_47 : memref<208x32xf32, #tpu.memory_space<vmem_shared>>) target(%arg15 : memref<208x32xf32, #tpu.memory_space<vmem>>) target_semaphore(%run_scoped3A : memref<!tpu.dma_semaphore, #tpu.memory_space<semaphore_mem>>)
      %dma_wait3A = arith.constant 0 : i32
      %dma_wait3A_48 = tpu.memref_slice %arg8[%add3A_34, %dma_wait3A] : memref<10000x32xf32, #tpu.memory_space<vmem_shared>> -> memref<208x32xf32, #tpu.memory_space<vmem_shared>>
      %dma_wait3A_49 = arith.constant 0 : i32
      %dma_wait3A_50 = tpu.memref_slice %arg8[%add3A_34, %dma_wait3A_49] : memref<10000x32xf32, #tpu.memory_space<vmem_shared>> -> memref<208x32xf32, #tpu.memory_space<vmem_shared>>
      tpu.wait_dma2 semaphore(%run_scoped3A : memref<!tpu.dma_semaphore, #tpu.memory_space<semaphore_mem>>) src(%dma_wait3A_50 : memref<208x32xf32, #tpu.memory_space<vmem_shared>>) dst(%arg15 : memref<208x32xf32, #tpu.memory_space<vmem>>)
      tpu.yield
    }) : () -> ()
    %add3A_35 = arith.constant 416 : i32
    %add3A_36 = arith.addi %mul3A_4, %add3A_35 : i32
    %mul3A_37 = arith.constant 32 : i32
    %mul3A_38 = arith.muli %mul3A_37, %arg0 : i32
    "tpu.region"() ({
      %run_scoped3A = tpu.sem_alloc : memref<!tpu.dma_semaphore, #tpu.memory_space<semaphore_mem>>
      %dma_start3A_44 = tpu.memref_slice %arg7[%add3A_36, %mul3A_38] : memref<10000x128xf32, #tpu.memory_space<hbm>> -> memref<208x32xf32, #tpu.memory_space<hbm>>
      %dma_start3A_45 = tpu.memref_slice %arg7[%add3A_36, %mul3A_38] : memref<10000x128xf32, #tpu.memory_space<hbm>> -> memref<208x32xf32, #tpu.memory_space<hbm>>
      tpu.enqueue_dma source(%arg15 : memref<208x32xf32, #tpu.memory_space<vmem>>) target(%dma_start3A_45 : memref<208x32xf32, #tpu.memory_space<hbm>>) target_semaphore(%run_scoped3A : memref<!tpu.dma_semaphore, #tpu.memory_space<semaphore_mem>>)
      %dma_wait3A = tpu.memref_slice %arg7[%add3A_36, %mul3A_38] : memref<10000x128xf32, #tpu.memory_space<hbm>> -> memref<208x32xf32, #tpu.memory_space<hbm>>
      %dma_wait3A_46 = tpu.memref_slice %arg7[%add3A_36, %mul3A_38] : memref<10000x128xf32, #tpu.memory_space<hbm>> -> memref<208x32xf32, #tpu.memory_space<hbm>>
      tpu.wait_dma2 semaphore(%run_scoped3A : memref<!tpu.dma_semaphore, #tpu.memory_space<semaphore_mem>>) src(%arg15 : memref<208x32xf32, #tpu.memory_space<vmem>>) dst(%dma_wait3A_46 : memref<208x32xf32, #tpu.memory_space<hbm>>)
      tpu.yield
    }) : () -> ()
    %eq3A_39 = arith.constant 15 : i32
    %eq3A_40 = arith.cmpi eq, %arg1, %eq3A_39 : i32
    %convert_element_type3A_41 = arith.extui %eq3A_40 : i1 to i32
    %cond3A_42 = arith.constant 0 : i32
    %cond3A_43 = arith.cmpi ne, %convert_element_type3A_41, %cond3A_42 : i32
    scf.if %cond3A_43 {
      "tpu.region"() ({
        %run_scoped3A = tpu.sem_alloc : memref<!tpu.dma_semaphore, #tpu.memory_space<semaphore_mem>>
        %dma_start3A_46 = arith.constant 0 : i32
        %dma_start3A_47 = arith.constant 0 : i32
        %dma_start3A_48 = tpu.memref_slice %arg15[%dma_start3A_46, %dma_start3A_47] : memref<208x32xf32, #tpu.memory_space<vmem>> -> memref<16x32xf32, #tpu.memory_space<vmem>>
        %dma_start3A_49 = arith.constant 9984 : i32
        %dma_start3A_50 = arith.constant 0 : i32
        %dma_start3A_51 = tpu.memref_slice %arg8[%dma_start3A_49, %dma_start3A_50] : memref<10000x32xf32, #tpu.memory_space<vmem_shared>> -> memref<16x32xf32, #tpu.memory_space<vmem_shared>>
        %dma_start3A_52 = arith.constant 0 : i32
        %dma_start3A_53 = arith.constant 0 : i32
        %dma_start3A_54 = tpu.memref_slice %arg15[%dma_start3A_52, %dma_start3A_53] : memref<208x32xf32, #tpu.memory_space<vmem>> -> memref<16x32xf32, #tpu.memory_space<vmem>>
        %dma_start3A_55 = arith.constant 9984 : i32
        %dma_start3A_56 = arith.constant 0 : i32
        %dma_start3A_57 = tpu.memref_slice %arg8[%dma_start3A_55, %dma_start3A_56] : memref<10000x32xf32, #tpu.memory_space<vmem_shared>> -> memref<16x32xf32, #tpu.memory_space<vmem_shared>>
        tpu.enqueue_dma source(%dma_start3A_57 : memref<16x32xf32, #tpu.memory_space<vmem_shared>>) target(%dma_start3A_54 : memref<16x32xf32, #tpu.memory_space<vmem>>) target_semaphore(%run_scoped3A : memref<!tpu.dma_semaphore, #tpu.memory_space<semaphore_mem>>)
        %dma_wait3A = arith.constant 0 : i32
        %dma_wait3A_58 = arith.constant 0 : i32
        %dma_wait3A_59 = tpu.memref_slice %arg15[%dma_wait3A, %dma_wait3A_58] : memref<208x32xf32, #tpu.memory_space<vmem>> -> memref<16x32xf32, #tpu.memory_space<vmem>>
        %dma_wait3A_60 = arith.constant 9984 : i32
        %dma_wait3A_61 = arith.constant 0 : i32
        %dma_wait3A_62 = tpu.memref_slice %arg8[%dma_wait3A_60, %dma_wait3A_61] : memref<10000x32xf32, #tpu.memory_space<vmem_shared>> -> memref<16x32xf32, #tpu.memory_space<vmem_shared>>
        %dma_wait3A_63 = arith.constant 0 : i32
        %dma_wait3A_64 = arith.constant 0 : i32
        %dma_wait3A_65 = tpu.memref_slice %arg15[%dma_wait3A_63, %dma_wait3A_64] : memref<208x32xf32, #tpu.memory_space<vmem>> -> memref<16x32xf32, #tpu.memory_space<vmem>>
        %dma_wait3A_66 = arith.constant 9984 : i32
        %dma_wait3A_67 = arith.constant 0 : i32
        %dma_wait3A_68 = tpu.memref_slice %arg8[%dma_wait3A_66, %dma_wait3A_67] : memref<10000x32xf32, #tpu.memory_space<vmem_shared>> -> memref<16x32xf32, #tpu.memory_space<vmem_shared>>
        tpu.wait_dma2 semaphore(%run_scoped3A : memref<!tpu.dma_semaphore, #tpu.memory_space<semaphore_mem>>) src(%dma_wait3A_68 : memref<16x32xf32, #tpu.memory_space<vmem_shared>>) dst(%dma_wait3A_65 : memref<16x32xf32, #tpu.memory_space<vmem>>)
        tpu.yield
      }) : () -> ()
      %mul3A_44 = arith.constant 32 : i32
      %mul3A_45 = arith.muli %mul3A_44, %arg0 : i32
      "tpu.region"() ({
        %run_scoped3A = tpu.sem_alloc : memref<!tpu.dma_semaphore, #tpu.memory_space<semaphore_mem>>
        %dma_start3A_46 = arith.constant 0 : i32
        %dma_start3A_47 = arith.constant 0 : i32
        %dma_start3A_48 = tpu.memref_slice %arg15[%dma_start3A_46, %dma_start3A_47] : memref<208x32xf32, #tpu.memory_space<vmem>> -> memref<16x32xf32, #tpu.memory_space<vmem>>
        %dma_start3A_49 = arith.constant 9984 : i32
        %dma_start3A_50 = tpu.memref_slice %arg7[%dma_start3A_49, %mul3A_45] : memref<10000x128xf32, #tpu.memory_space<hbm>> -> memref<16x32xf32, #tpu.memory_space<hbm>>
        %dma_start3A_51 = arith.constant 9984 : i32
        %dma_start3A_52 = tpu.memref_slice %arg7[%dma_start3A_51, %mul3A_45] : memref<10000x128xf32, #tpu.memory_space<hbm>> -> memref<16x32xf32, #tpu.memory_space<hbm>>
        %dma_start3A_53 = arith.constant 0 : i32
        %dma_start3A_54 = arith.constant 0 : i32
        %dma_start3A_55 = tpu.memref_slice %arg15[%dma_start3A_53, %dma_start3A_54] : memref<208x32xf32, #tpu.memory_space<vmem>> -> memref<16x32xf32, #tpu.memory_space<vmem>>
        tpu.enqueue_dma source(%dma_start3A_55 : memref<16x32xf32, #tpu.memory_space<vmem>>) target(%dma_start3A_52 : memref<16x32xf32, #tpu.memory_space<hbm>>) target_semaphore(%run_scoped3A : memref<!tpu.dma_semaphore, #tpu.memory_space<semaphore_mem>>)
        %dma_wait3A = arith.constant 0 : i32
        %dma_wait3A_56 = arith.constant 0 : i32
        %dma_wait3A_57 = tpu.memref_slice %arg15[%dma_wait3A, %dma_wait3A_56] : memref<208x32xf32, #tpu.memory_space<vmem>> -> memref<16x32xf32, #tpu.memory_space<vmem>>
        %dma_wait3A_58 = arith.constant 9984 : i32
        %dma_wait3A_59 = tpu.memref_slice %arg7[%dma_wait3A_58, %mul3A_45] : memref<10000x128xf32, #tpu.memory_space<hbm>> -> memref<16x32xf32, #tpu.memory_space<hbm>>
        %dma_wait3A_60 = arith.constant 9984 : i32
        %dma_wait3A_61 = tpu.memref_slice %arg7[%dma_wait3A_60, %mul3A_45] : memref<10000x128xf32, #tpu.memory_space<hbm>> -> memref<16x32xf32, #tpu.memory_space<hbm>>
        %dma_wait3A_62 = arith.constant 0 : i32
        %dma_wait3A_63 = arith.constant 0 : i32
        %dma_wait3A_64 = tpu.memref_slice %arg15[%dma_wait3A_62, %dma_wait3A_63] : memref<208x32xf32, #tpu.memory_space<vmem>> -> memref<16x32xf32, #tpu.memory_space<vmem>>
        tpu.wait_dma2 semaphore(%run_scoped3A : memref<!tpu.dma_semaphore, #tpu.memory_space<semaphore_mem>>) src(%dma_wait3A_64 : memref<16x32xf32, #tpu.memory_space<vmem>>) dst(%dma_wait3A_61 : memref<16x32xf32, #tpu.memory_space<hbm>>)
        tpu.yield
      }) : () -> ()
    } else {
    }
    return
  }
}

module attributes {stable_mosaic.version = 14 : i64} {
  func.func @_lin2_body(%arg0: memref<10000x128xf32, #tpu.memory_space<vmem>>, %arg1: memref<64x128xf32, #tpu.memory_space<vmem>>, %arg2: memref<64x128xf32, #tpu.memory_space<vmem>>, %arg3: memref<10000x64xf32, #tpu.memory_space<vmem>>, %arg4: memref<10000x64xf32, #tpu.memory_space<vmem>>) attributes {dimension_semantics = [], scalar_prefetch = 0 : i64, scratch_operands = 0 : i64, tpu.core_type = #tpu.core_type<tc>} {
    %get3A = arith.constant 0 : index
    %get3A_0 = arith.constant 0 : index
    %get3A_1 = vector.load %arg0[%get3A, %get3A_0] : memref<10000x128xf32, #tpu.memory_space<vmem>>, vector<10000x128xf32>
    %get3A_2 = arith.constant 0 : index
    %get3A_3 = arith.constant 0 : index
    %get3A_4 = vector.load %arg1[%get3A_2, %get3A_3] : memref<64x128xf32, #tpu.memory_space<vmem>>, vector<64x128xf32>
    %dot_general3A = arith.constant dense<0.000000e+00> : vector<10000x64xf32>
    %dot_general3A_5 = tpu.matmul %get3A_1, %get3A_4, %dot_general3A {dimension_numbers = #tpu.dot_dimension_numbers<[1], [1], [0], [0], [0, 0, 1, 0], [], []>, transpose_lhs_hint = false} : vector<10000x128xf32>, vector<64x128xf32>, vector<10000x64xf32> -> vector<10000x64xf32>
    %swap3A = arith.constant 0 : index
    %swap3A_6 = arith.constant 0 : index
    %swap3A_7 = vector.load %arg3[%swap3A, %swap3A_6] : memref<10000x64xf32, #tpu.memory_space<vmem>>, vector<10000x64xf32>
    tpu.vector_store %arg3[%swap3A, %swap3A_6], %dot_general3A_5 {strides = array<i32>} : memref<10000x64xf32, #tpu.memory_space<vmem>>, vector<10000x64xf32>,
    %get3A_8 = arith.constant 0 : index
    %get3A_9 = arith.constant 0 : index
    %get3A_10 = vector.load %arg2[%get3A_8, %get3A_9] : memref<64x128xf32, #tpu.memory_space<vmem>>, vector<64x128xf32>
    %dot_general3A_11 = arith.constant dense<0.000000e+00> : vector<10000x64xf32>
    %dot_general3A_12 = tpu.matmul %get3A_1, %get3A_10, %dot_general3A_11 {dimension_numbers = #tpu.dot_dimension_numbers<[1], [1], [0], [0], [0, 0, 1, 0], [], []>, transpose_lhs_hint = false} : vector<10000x128xf32>, vector<64x128xf32>, vector<10000x64xf32> -> vector<10000x64xf32>
    %swap3A_13 = arith.constant 0 : index
    %swap3A_14 = arith.constant 0 : index
    %swap3A_15 = vector.load %arg4[%swap3A_13, %swap3A_14] : memref<10000x64xf32, #tpu.memory_space<vmem>>, vector<10000x64xf32>
    tpu.vector_store %arg4[%swap3A_13, %swap3A_14], %dot_general3A_12 {strides = array<i32>} : memref<10000x64xf32, #tpu.memory_space<vmem>>, vector<10000x64xf32>,
    return
  }
}

module attributes {stable_mosaic.version = 14 : i64} {
  func.func @_mid_body(%arg0: memref<10000x128xf32, #tpu.memory_space<vmem>>, %arg1: memref<20000xf32, #tpu.memory_space<vmem>>, %arg2: memref<1x64xf32, #tpu.memory_space<vmem>>, %arg3: memref<10000x64xf32, #tpu.memory_space<vmem>>, %arg4: memref<32x64xf32, #tpu.memory_space<vmem>>, %arg5: memref<32x64xf32, #tpu.memory_space<vmem>>, %arg6: memref<10000x32xf32, #tpu.memory_space<vmem>>, %arg7: memref<10000x32xf32, #tpu.memory_space<vmem>>) attributes {dimension_semantics = [], scalar_prefetch = 0 : i64, scratch_operands = 0 : i64, tpu.core_type = #tpu.core_type<tc>} {
    %get3A = arith.constant 0 : index
    %get3A_0 = arith.constant 0 : index
    %get3A_1 = vector.load %arg0[%get3A, %get3A_0] : memref<10000x128xf32, #tpu.memory_space<vmem>>, vector<10000x128xf32>
    %slice3A = vector.extract_strided_slice %get3A_1 {offsets = [0, 0], sizes = [10000, 64], strides = [1, 1]} : vector<10000x128xf32> to vector<10000x64xf32>
    %slice3A_2 = vector.extract_strided_slice %get3A_1 {offsets = [0, 64], sizes = [10000, 64], strides = [1, 1]} : vector<10000x128xf32> to vector<10000x64xf32>
    %add3A = arith.addf %slice3A, %slice3A_2 : vector<10000x64xf32>
    %get3A_3 = arith.constant 0 : index
    %get3A_4 = vector.load %arg1[%get3A_3] : memref<20000xf32, #tpu.memory_space<vmem>>, vector<20000xf32>
    %slice3A_5 = vector.extract_strided_slice %get3A_4 {offsets = [0], sizes = [10000], strides = [1]} : vector<20000xf32> to vector<10000xf32>
    %slice3A_6 = vector.extract_strided_slice %get3A_4 {offsets = [10000], sizes = [10000], strides = [1]} : vector<20000xf32> to vector<10000xf32>
    %add3A_7 = arith.addf %slice3A_5, %slice3A_6 : vector<10000xf32>
    %max3A = arith.constant 1.000000e+00 : f32
    %max3A_8 = vector.broadcast %max3A : f32 to vector<10000xf32>
    %max3A_9 = arith.maximumf %add3A_7, %max3A_8 : vector<10000xf32>
    %reshape3A = vector.shape_cast %max3A_9 : vector<10000xf32> to vector<10000x1xf32>
    %div3A = vector.broadcast %reshape3A : vector<10000x1xf32> to vector<10000x64xf32>
    %div3A_10 = arith.divf %add3A, %div3A : vector<10000x64xf32>
    %get3A_11 = arith.constant 0 : index
    %get3A_12 = arith.constant 0 : index
    %get3A_13 = vector.load %arg2[%get3A_11, %get3A_12] : memref<1x64xf32, #tpu.memory_space<vmem>>, vector<1x64xf32>
    %add3A_14 = vector.broadcast %get3A_13 : vector<1x64xf32> to vector<10000x64xf32>
    %add3A_15 = arith.addf %div3A_10, %add3A_14 : vector<10000x64xf32>
    %get3A_16 = arith.constant 0 : index
    %get3A_17 = arith.constant 0 : index
    %get3A_18 = vector.load %arg3[%get3A_16, %get3A_17] : memref<10000x64xf32, #tpu.memory_space<vmem>>, vector<10000x64xf32>
    %add3A_19 = arith.addf %add3A_15, %get3A_18 : vector<10000x64xf32>
    %max3A_20 = arith.constant 0.000000e+00 : f32
    %max3A_21 = vector.broadcast %max3A_20 : f32 to vector<10000x64xf32>
    %max3A_22 = arith.maximumf %add3A_19, %max3A_21 : vector<10000x64xf32>
    %get3A_23 = arith.constant 0 : index
    %get3A_24 = arith.constant 0 : index
    %get3A_25 = vector.load %arg4[%get3A_23, %get3A_24] : memref<32x64xf32, #tpu.memory_space<vmem>>, vector<32x64xf32>
    %dot_general3A = arith.constant dense<0.000000e+00> : vector<10000x32xf32>
    %dot_general3A_26 = tpu.matmul %max3A_22, %get3A_25, %dot_general3A {dimension_numbers = #tpu.dot_dimension_numbers<[1], [1], [0], [0], [0, 0, 1, 0], [], []>, transpose_lhs_hint = false} : vector<10000x64xf32>, vector<32x64xf32>, vector<10000x32xf32> -> vector<10000x32xf32>
    %swap3A = arith.constant 0 : index
    %swap3A_27 = arith.constant 0 : index
    %swap3A_28 = vector.load %arg6[%swap3A, %swap3A_27] : memref<10000x32xf32, #tpu.memory_space<vmem>>, vector<10000x32xf32>
    tpu.vector_store %arg6[%swap3A, %swap3A_27], %dot_general3A_26 {strides = array<i32>} : memref<10000x32xf32, #tpu.memory_space<vmem>>, vector<10000x32xf32>,
    %get3A_29 = arith.constant 0 : index
    %get3A_30 = arith.constant 0 : index
    %get3A_31 = vector.load %arg5[%get3A_29, %get3A_30] : memref<32x64xf32, #tpu.memory_space<vmem>>, vector<32x64xf32>
    %dot_general3A_32 = arith.constant dense<0.000000e+00> : vector<10000x32xf32>
    %dot_general3A_33 = tpu.matmul %max3A_22, %get3A_31, %dot_general3A_32 {dimension_numbers = #tpu.dot_dimension_numbers<[1], [1], [0], [0], [0, 0, 1, 0], [], []>, transpose_lhs_hint = false} : vector<10000x64xf32>, vector<32x64xf32>, vector<10000x32xf32> -> vector<10000x32xf32>
    %swap3A_34 = arith.constant 0 : index
    %swap3A_35 = arith.constant 0 : index
    %swap3A_36 = vector.load %arg7[%swap3A_34, %swap3A_35] : memref<10000x32xf32, #tpu.memory_space<vmem>>, vector<10000x32xf32>
    tpu.vector_store %arg7[%swap3A_34, %swap3A_35], %dot_general3A_33 {strides = array<i32>} : memref<10000x32xf32, #tpu.memory_space<vmem>>, vector<10000x32xf32>,
    return
  }
}

module attributes {stable_mosaic.version = 14 : i64} {
  func.func @_out_body(%arg0: memref<10000x128xf32, #tpu.memory_space<vmem>>, %arg1: memref<20000xf32, #tpu.memory_space<vmem>>, %arg2: memref<1x32xf32, #tpu.memory_space<vmem>>, %arg3: memref<10000x32xf32, #tpu.memory_space<vmem>>, %arg4: memref<2x32xf32, #tpu.memory_space<vmem>>, %arg5: memref<1x2xf32, #tpu.memory_space<vmem>>, %arg6: memref<10000x2xf32, #tpu.memory_space<vmem>>) attributes {dimension_semantics = [], scalar_prefetch = 0 : i64, scratch_operands = 0 : i64, tpu.core_type = #tpu.core_type<tc>} {
    %get3A = arith.constant 0 : index
    %get3A_0 = arith.constant 0 : index
    %get3A_1 = vector.load %arg0[%get3A, %get3A_0] : memref<10000x128xf32, #tpu.memory_space<vmem>>, vector<10000x128xf32>
    %slice3A = vector.extract_strided_slice %get3A_1 {offsets = [0, 0], sizes = [10000, 32], strides = [1, 1]} : vector<10000x128xf32> to vector<10000x32xf32>
    %slice3A_2 = vector.extract_strided_slice %get3A_1 {offsets = [0, 32], sizes = [10000, 32], strides = [1, 1]} : vector<10000x128xf32> to vector<10000x32xf32>
    %add3A = arith.addf %slice3A, %slice3A_2 : vector<10000x32xf32>
    %get3A_3 = arith.constant 0 : index
    %get3A_4 = vector.load %arg1[%get3A_3] : memref<20000xf32, #tpu.memory_space<vmem>>, vector<20000xf32>
    %slice3A_5 = vector.extract_strided_slice %get3A_4 {offsets = [0], sizes = [10000], strides = [1]} : vector<20000xf32> to vector<10000xf32>
    %slice3A_6 = vector.extract_strided_slice %get3A_4 {offsets = [10000], sizes = [10000], strides = [1]} : vector<20000xf32> to vector<10000xf32>
    %add3A_7 = arith.addf %slice3A_5, %slice3A_6 : vector<10000xf32>
    %max3A = arith.constant 1.000000e+00 : f32
    %max3A_8 = vector.broadcast %max3A : f32 to vector<10000xf32>
    %max3A_9 = arith.maximumf %add3A_7, %max3A_8 : vector<10000xf32>
    %reshape3A = vector.shape_cast %max3A_9 : vector<10000xf32> to vector<10000x1xf32>
    %div3A = vector.broadcast %reshape3A : vector<10000x1xf32> to vector<10000x32xf32>
    %div3A_10 = arith.divf %add3A, %div3A : vector<10000x32xf32>
    %get3A_11 = arith.constant 0 : index
    %get3A_12 = arith.constant 0 : index
    %get3A_13 = vector.load %arg2[%get3A_11, %get3A_12] : memref<1x32xf32, #tpu.memory_space<vmem>>, vector<1x32xf32>
    %add3A_14 = vector.broadcast %get3A_13 : vector<1x32xf32> to vector<10000x32xf32>
    %add3A_15 = arith.addf %div3A_10, %add3A_14 : vector<10000x32xf32>
    %get3A_16 = arith.constant 0 : index
    %get3A_17 = arith.constant 0 : index
    %get3A_18 = vector.load %arg3[%get3A_16, %get3A_17] : memref<10000x32xf32, #tpu.memory_space<vmem>>, vector<10000x32xf32>
    %add3A_19 = arith.addf %add3A_15, %get3A_18 : vector<10000x32xf32>
    %max3A_20 = arith.constant 0.000000e+00 : f32
    %max3A_21 = vector.broadcast %max3A_20 : f32 to vector<10000x32xf32>
    %max3A_22 = arith.maximumf %add3A_19, %max3A_21 : vector<10000x32xf32>
    %get3A_23 = arith.constant 0 : index
    %get3A_24 = arith.constant 0 : index
    %get3A_25 = vector.load %arg4[%get3A_23, %get3A_24] : memref<2x32xf32, #tpu.memory_space<vmem>>, vector<2x32xf32>
    %dot_general3A = arith.constant dense<0.000000e+00> : vector<10000x2xf32>
    %dot_general3A_26 = tpu.matmul %max3A_22, %get3A_25, %dot_general3A {dimension_numbers = #tpu.dot_dimension_numbers<[1], [1], [0], [0], [0, 0, 1, 0], [], []>, transpose_lhs_hint = false} : vector<10000x32xf32>, vector<2x32xf32>, vector<10000x2xf32> -> vector<10000x2xf32>
    %get3A_27 = arith.constant 0 : index
    %get3A_28 = arith.constant 0 : index
    %get3A_29 = vector.load %arg5[%get3A_27, %get3A_28] : memref<1x2xf32, #tpu.memory_space<vmem>>, vector<1x2xf32>
    %add3A_30 = vector.broadcast %get3A_29 : vector<1x2xf32> to vector<10000x2xf32>
    %add3A_31 = arith.addf %dot_general3A_26, %add3A_30 : vector<10000x2xf32>
    %swap3A = arith.constant 0 : index
    %swap3A_32 = arith.constant 0 : index
    %swap3A_33 = vector.load %arg6[%swap3A, %swap3A_32] : memref<10000x2xf32, #tpu.memory_space<vmem>>, vector<10000x2xf32>
    tpu.vector_store %arg6[%swap3A, %swap3A_32], %add3A_31 {strides = array<i32>} : memref<10000x2xf32, #tpu.memory_space<vmem>>, vector<10000x2xf32>,
    return
  }
}

</mosaic_0001>

<sc_bundles>
// kernel: kernel.10.cloned.1.call-start
scs
__scs_entry_jumppad:
0x0: {  	(pc) =	sbr.rel $0x88, $3  }
0x1: {  	(tag) =	ssettag $0x0;
	lr =	simm.s32 $0x1  }
0x2: {  	[smem:$0x3F97] =	sst lr;
	_ =	strace $0xD0000000  }
0x3: {  	_ = 	snop  }
0x4: {  	_ = 	snop  }
0x5: {  	_ = 	snop  }
0x6: {  	_ = 	snop  }
0x7: {  	_ = 	snop  }
__scs_overlays_trampoline_lowered:
0x8: {  	[smem:$0x3FA6] =	sst s0  }
0x9: {  	[smem:$0x3FA7] =	sst s1  }
0xa: {  	[smem:$0x3FA8] =	sst s2  }
0xb: {  	[smem:$0x3FA9] =	sst s3  }
0xc: {  	[smem:$0x3FAA] =	sst s4  }
0xd: {  	[smem:$0x3FAB] =	sst s5  }
0xe: {  	[smem:$0x3FAC] =	sst s6  }
0xf: {  	[smem:$0x3FAD] =	sst s7  }
0x10: {  	[smem:$0x3FAE] =	sst s8  }
0x11: {  	[smem:$0x3FAF] =	sst s9;
	s0 =	simm.s32 @!p0 $0x0  }
0x12: {  	s1 =	sld [smem:$0x3F95];
	s0 =	simm.s32 @p0 $0x1  }
0x13: {  	[smem:$0x3FB0] =	sst s0;
	s0 =	simm.s32 @!p1 $0x0  }
0x14: {  	s2 =	sld [smem:$0x3F94];
	s0 =	simm.s32 @p1 $0x1  }
0x15: {  	[smem:$0x3FB1] =	sst s0;
	s0 =	simm.s32 @!p2 $0x0  }
0x16: {  	s3 =	sld [smem:$0x3FDB];
	s0 =	simm.s32 @p2 $0x1  }
0x17: {  	s4 =	simm.s32 $0x1BF5;
	[smem:$0x3FB3] =	sst s0  }
0x18: {  	s0 =	sld [smem:$0x3F96];
	_ =	swait.ge [sflag:s4], $0x0  }
0x19: {  	s7 =	sld [smem:$0x3F97]  }
0x1a: {  	s8 =	sadd.s32 $0xFFFFE003, lr  }
0x1b: {  	s9 =	sadd.s32 $0xFFFFFEF7, lr;
	s5 =	simm.s32 $0xFFFFFFFF;
	p2 =	slt.u32 s8, $0xFFFFF086  }
0x1c: {  	p1 =	slt.u32 s9, $0xF7A;
	s5 =	simm.s32 @!p2 $0x0  }
0x1d: {  	s5 =	simm.s32 @p1 $0x1;
	p0 =	seq.s32 s7, s2  }
0x1e: {  	s7 =	smul.u32 @!p0 $0xF7A, s2;
	p2 =	seq.s32 @!p0 s5, $0x0  }
0x1f: {  	s9 =	smul.u32 $0xF7A, s1;
	s8 =	simm.s32 @!p0 $0x1BF5;
	p2 =	por !p2, p0  }
0x20: {  	[sflag:s8] =	ssyncset.s32 @!p0 $0xFFFFF086;
	s6 =	sadd.s32 @!p0 s3, s7;
	s7 =	simm.s32 @!p0 $0x108  }
0x21: {  	s3 =	sadd.s32 s3, s9;
	s6 =	sadd.s32 @!p0 $0x88, s6;
	s7 =	simm.s32 @p2 $0x1082  }
0x22: {  	[simem:s7], [sflag:s8] =	dma.local @!p0 [hbm:s6], $0xF7A  }
0x23: {  	s9 =	sor.u32 $0xD0000000, s2;
	s6 =	simm.s32 $0x108;
	_ =	swait.ge @!p0 [sflag:s8], $0x0  }
0x24: {  	s3 =	sadd.s32 $0x88, s3;
	s6 =	simm.s32 @!p1 $0x1082;
	[sflag:s4] =	ssyncset.s32 $0xFFFFF086  }
0x25: {  	[simem:s6], [sflag:s4] =	dma.local [hbm:s3], $0xF7A  }
0x26: {  	[smem:$0x3F97] =	sst s1;
	(tag) =	ssettag s2;
	_ =	strace s9  }
0x27: {  	s1 =	sld [smem:$0x3FA7]  }
0x28: {  	s2 =	sld [smem:$0x3FA8]  }
0x29: {  	s4 =	sld [smem:$0x3FAA]  }
0x2a: {  	p0 =	seq.s32 s5, $0x0;
	s5 =	sld [smem:$0x3FAB]  }
0x2b: {  	s6 =	sld [smem:$0x3FAC]  }
0x2c: {  	s7 =	sld [smem:$0x3FAD]  }
0x2d: {  	s3 =	simm.s32 $0x108;
	s8 =	sld [smem:$0x3FAE]  }
0x2e: {  	s3 =	simm.s32 @!p0 $0x1082;
	s9 =	sld [smem:$0x3FAF]  }
0x2f: {  	lr =	sadd.s32 s0, s3;
	s0 =	sld [smem:$0x3FA6]  }
0x30: {  	s3 =	sld [smem:$0x3FA9]  }
0x31: {  	[smem:$0x3FB2] =	sst s10  }
0x32: {  	s10 =	sld [smem:$0x3FB0];
	_ =	sdelay $0x3  }
0x33: {  	p0 =	seq.s32 s10, $0x1;
	s10 =	sld [smem:$0x3FB2];
	_ =	sdelay $0x3  }
0x34: {  	[smem:$0x3FB2] =	sst s10  }
0x35: {  	s10 =	sld [smem:$0x3FB1];
	_ =	sdelay $0x3  }
0x36: {  	p1 =	seq.s32 s10, $0x1;
	s10 =	sld [smem:$0x3FB2];
	_ =	sdelay $0x3  }
0x37: {  	[smem:$0x3FB2] =	sst s10  }
0x38: {  	s10 =	sld [smem:$0x3FB3]  }
0x39: {  	_ = 	snop;
	(pc) =	sbr.ind lr, $3  }
0x3a: {  	_ = 	snop  }
0x3b: {  	_ = 	snop  }
0x3c: {  	p2 =	seq.s32 s10, $0x1;
	s10 =	sld [smem:$0x3FB2]  }
0x3d: {  	_ =	shalt  }
0x3e: {  	_ =	shalt  }
0x3f: {  	_ =	shalt  }
0x40: {  	_ =	shalt  }
0x41: {  	_ =	shalt  }
0x42: {  	_ =	shalt  }
0x43: {  	_ =	shalt  }
0x44: {  	_ =	shalt  }
0x45: {  	_ =	shalt  }
0x46: {  	_ =	shalt  }
0x47: {  	_ =	shalt  }
0x48: {  	_ =	shalt  }
0x49: {  	_ =	shalt  }
0x4a: {  	_ =	shalt  }
0x4b: {  	_ =	shalt  }
0x4c: {  	_ =	shalt  }
0x4d: {  	_ =	shalt  }
0x4e: {  	_ =	shalt  }
0x4f: {  	_ =	shalt  }
0x50: {  	_ =	shalt  }
0x51: {  	_ =	shalt  }
0x52: {  	_ =	shalt  }
0x53: {  	_ =	shalt  }
0x54: {  	_ =	shalt  }
0x55: {  	_ =	shalt  }
0x56: {  	_ =	shalt  }
0x57: {  	_ =	shalt  }
0x58: {  	_ =	shalt  }
0x59: {  	_ =	shalt  }
0x5a: {  	_ =	shalt  }
0x5b: {  	_ =	shalt  }
0x5c: {  	_ =	shalt  }
0x5d: {  	_ =	shalt  }
0x5e: {  	_ =	shalt  }
0x5f: {  	_ =	shalt  }
0x60: {  	_ =	shalt  }
0x61: {  	_ =	shalt  }
0x62: {  	_ =	shalt  }
0x63: {  	_ =	shalt  }
0x64: {  	_ =	shalt  }
0x65: {  	_ =	shalt  }
0x66: {  	_ =	shalt  }
0x67: {  	_ =	shalt  }
0x68: {  	_ =	shalt  }
0x69: {  	_ =	shalt  }
0x6a: {  	_ =	shalt  }
0x6b: {  	_ =	shalt  }
0x6c: {  	_ =	shalt  }
0x6d: {  	_ =	shalt  }
0x6e: {  	_ =	shalt  }
0x6f: {  	_ =	shalt  }
0x70: {  	_ =	shalt  }
0x71: {  	_ =	shalt  }
0x72: {  	_ =	shalt  }
0x73: {  	_ =	shalt  }
0x74: {  	_ =	shalt  }
0x75: {  	_ =	shalt  }
0x76: {  	_ =	shalt  }
0x77: {  	_ =	shalt  }
0x78: {  	_ =	shalt  }
0x79: {  	_ =	shalt  }
0x7a: {  	_ =	shalt  }
0x7b: {  	_ =	shalt  }
0x7c: {  	_ =	shalt  }
0x7d: {  	_ =	shalt  }
0x7e: {  	_ =	shalt  }
0x7f: {  	_ =	shalt  }
0x80: {  	_ =	shalt  }
0x81: {  	_ =	shalt  }
0x82: {  	_ =	shalt  }
0x83: {  	_ =	shalt  }
0x84: {  	_ =	shalt  }
0x85: {  	_ =	shalt  }
0x86: {  	_ =	shalt  }
0x87: {  	_ =	shalt  }
.Lfunc_end0:
.L_simem_size_0:
called_computation.1_lowered:
.L_overlay_start_0:
0x88: {  	s2 =	sld [smem:$0x3FD9]  }
0x89: {  	s3 =	sld [smem:$0x3FFE];
	_ =	sdelay $0x1  }
0x8a: {  	s1 =	srdreg.scid  }
0x8b: {  	s0 =	sand.u32 $0x1, s1  }
0x8c: {  	s17 =	sshll.u32 s0, $0xA;
	s2 =	sadd.s32 s3, s2  }
0x8d: {  	s2 =	sadd.s32 s2, s17  }
0x8e: {  	[smem:$0x3FBE] =	sst s2  }
0x8f: {  	_ = 	snop  }
0x90: {  	s2 =	sld [smem:$0x3FD0];
	(tm) =	ssettm $0x1  }
0x91: {  	s18 =	sld [smem:$0x3FFB];
	_ =	sdelay $0x3  }
0x92: {  	_ =	strace s18  }
0x93: {  	s3 =	sld [smem:$0x3FFC];
	_ =	sdelay $0x3  }
0x94: {  	_ =	strace s3  }
0x95: {  	s3 =	sld [smem:$0x3FFD];
	_ =	sdelay $0x3  }
0x96: {  	_ =	strace s3  }
0x97: {  	_ =	strace $0x8FFFFFFF  }
0x98: {  	s19 =	sld [smem:$0x3FDB];
	_ =	sdelay $0x1  }
0x99: {  	s4 =	simm.s32 $_scs_section_size  }
0x9a: {  	s5 =	simm.s32 $_size__tile_overlayer_lowered;
	s6 =	simm.s32 $_tile_overlayer_lowered  }
0x9b: {  	s22 =	simm.s32 $0x1BFF;
	s21 =	sshll.u32 s6, $0x1;
	s3 =	sadd.s32 s4, s19  }
0x9c: {  	s7 =	simm.s32 $0x0;
	s20 =	sshll.u32 s5, $0x1;
	s5 =	sadd.s32 s21, s3  }
0x9d: {  	[timem:s7], [sflag:s22] =	dma.local [hbm:s5], s20  }
0x9e: {  	_ =	swait.ge [sflag:s22], s20  }
0x9f: {  	s4 =	ssub.s32 $0x0, s20;
	[sflag:s22] =	ssyncset.done $0x0  }
0xa0: {  	[sflag:s22] =	ssyncadd.s32 s4;
	_ =	sdelay $0x1  }
0xa1: {  	s23 =	simm.s32 $0x1B8B  }
0xa2: {  	_ =	swait.ge [sflag:s23], $0x1  }
0xa3: {  	[sflag:s23] =	ssyncset.done $0x0  }
0xa4: {  	s25 =	simm.s32 $0x1B8E;
	s24 =	sld [smem:$0x3FFE];
	[sflag:s23] =	ssyncadd.s32 $0xFFFFFFFF  }
0xa5: {  	s26 =	simm.s32 $execute0_lowered;
	[smem:$0x3FD2] =	sst s25  }
0xa6: {  	s5 =	sshll.u32 s26, $0x1;
	_ =	strace $0x80000049;
	[dreg:$0x1] =	wrdreg $0xFFFFFFFF  }
0xa7: {  	s28 =	simm.s32 $_size_execute0_lowered;
	s3 =	sadd.s32 s3, s5;
	[dreg:$0x0] =	wrdreg $0x0  }
0xa8: {  	s5 =	sshll.u32 s28, $0x1;
	[dreg:$0x2] =	wrdreg s3  }
0xa9: {  	[dreg:$0x3] =	wrdreg s5  }
0xaa: {  	[dreg:$0x4] =	wrdreg $0xC0  }
0xab: {  	_ =	task [dreg:s7], $0x5FFFF  }
0xac: {  	[dreg:$0x1] =	wrdreg $0xFFFFFFFF  }
0xad: {  	[dreg:$0x0] =	wrdreg $0x60  }
0xae: {  	[dreg:$0x2] =	wrdreg s24  }
0xaf: {  	[dreg:$0x3] =	wrdreg s2  }
0xb0: {  	[dreg:$0x4] =	wrdreg $0x0  }
0xb1: {  	[dreg:$0x5] =	wrdreg $0x9  }
0xb2: {  	_ =	task.clear_ibuf [dreg:s7], $0x6FFFF;
	_ =	strace $0x90000049  }
0xb3: {  	s29 =	simm.s32 $0x9;
	_ =	strace $0x8000004B  }
0xb4: {  	_ =	swait.ge [sflag:s29], $0x1  }
0xb5: {  	[sflag:s29] =	ssyncadd.s32 $0xFFFFFFFF  }
0xb6: {  	_ =	strace $0x9000004B  }
0xb7: {  	_ =	sfence  }
0xb8: {  	s30 =	sld [smem:$0x0];
	_ =	sdelay $0x2  }
0xb9: {  	s31 =	sshll.u32 s1, $0xD;
	s1 =	sshrl.u32 s1, $0x2  }
0xba: {  	s3 =	sand.u32 $0x4000, s31;
	s1 =	sadd.s32 s1, s30  }
0xbb: {  	s0 =	sor.u32 s3, s0;
	s1 =	sshll.u32 s1, $0x11  }
0xbc: {  	s0 =	sor.u32 s1, s0  }
0xbd: {  	s0 =	sadd.s32 $0x8F2B, s0  }
0xbe: {  	[sflag:s0] =	ssyncadd.remote.s32 $0x1  }
0xbf: {  	_ =	sfence.sel $0xFFFF  }
0xc0: {  	[dreg:$0x0] =	wrdreg $0xFFFFFFFF;
	(pc) =	sbr.abs _section_cstart, $3  }
0xc1: {  	[dreg:$0x1] =	wrdreg $0xFFFFFFFF  }
0xc2: {  	_ =	task.clear_ibuf [dreg:s7], $0x2FFFF;
	_ =	strace $0x9FFFFFFF  }
0xc3: {  	(tm) =	ssettm $0x7FFFFFFF  }
tec
execute0_lowered:
.L_overlay_start_1:
0x0: {  	(tag) =	ssettag $0x1  }
0x1: {  	s0 =	rddreg [dreg:$0x0]  }
0x2: {  	s2 =	rddreg [dreg:$0x2];
	s3 =	simm.s32 $0x0;
	s1 =	srdreg.scid  }
0x3: {  	s18 =	stileid.u32;
	s28 =	simm.s32 $0x5208;
	s29 =	simm.s32 $0x3E8  }
0x4: {  	s30 =	simm.s32 $0x5DC0;
	s31 =	simm.s32 $0x55F0;
	[smem:$0x7FF] =	sst s3  }
0x5: {  	s5 =	sadd.s32 $0x15E00, s0;
	s6 =	sadd.s32 $0xC000, s0;
	s7 =	sadd.s32 $0x2200, s0  }
0x6: {  	s1 =	sand.u32 $0x1, s1;
	s8 =	sshll.u32 s18, $0x1;
	s11 =	smul.u32 $0x13800, s18  }
0x7: {  	s0 =	sadd.s32 $0x29A00, s0;
	p0 =	sne.s32 s18, $0xF;
	_ =	strace $0x8000004A  }
0x8: {  	s4 =	ssub.s32 $0x2, s1;
	s8 =	sor.u32 s1, s8;
	s15 =	sshll.u32 s1, $0x5  }
0x9: {  	s20 =	smul.u32 $0x2710, s1;
	s1 =	sshll.u32 s1, $0x2;
	s9 =	sshrl.u32 s4, $0x1  }
0xa: {  	s12 =	smul.u32 $0x2710, s8;
	s16 =	sshrl.u32 s11, $0x2;
	s13 =	sadd.s32 $0x6800, s11  }
0xb: {  	s14 =	sadd.s32 $0xD000, s11;
	s4 =	ssub.s32 s4, s9;
	s8 =	sadd.s32 s16, s2  }
0xc: {  	s17 =	sshrl.u32 s13, $0x2;
	s10 =	sshrl.u32 s14, $0x2;
	s16 =	sor.u32 s15, s11  }
0xd: {  	s11 =	sadd.s32 $0x4E000, s2;
	s13 =	sor.u32 s15, s13;
	s14 =	sor.u32 s15, s14  }
0xe: {  	s9 =	sadd.s32 s17, s2;
	s10 =	sadd.s32 s10, s2;
	s17 =	sshrl.u32 s12, $0x3  }
0xf: {  	s16 =	sshrl.u32 s16, $0x3;
	s13 =	sshrl.u32 s13, $0x3;
	s4 =	smax.u32 s4, $0x1  }
0x10: {  	s14 =	sshrl.u32 s14, $0x3;
	s19 =	sadd.s32 s6, s17;
	[dreg:$0xa] =	wrdreg s4  }
0x11: {  	s22 =	sadd.s32 $0x2328, s12;
	s17 =	sadd.s32 s7, s17;
	[dreg:$0x4] =	wrdreg s19  }
0x12: {  	s12 =	simm.s32 $0x20;
	s16 =	sadd.s32 s0, s16;
	[dreg:$0x5] =	wrdreg s17  }
0x13: {  	s13 =	sadd.s32 s0, s13;
	s21 =	sadd.s32 s0, s14;
	[dreg:$0x6] =	wrdreg s16  }
0x14: {  	s0 =	sadd.s32 s1, s0;
	s24 =	sshrl.u32 s22, $0x3;
	[dreg:$0x7] =	wrdreg s13  }
0x15: {  	s4 =	simm.s32 $0x1;
	[dreg:$0x8] =	wrdreg s21;
	s0 =	sadd.s32 $0x27000, s0  }
0x16: {  	s19 =	smul.u32 $0x4E20, s18;
	s26 =	sadd.s32 s6, s24;
	[dreg:$0x9] =	wrdreg s0  }
0x17: {  	s14 =	simm.s32 $0x0;
	s13 =	simm.s32 $0x80;
	[dreg:$0xb] =	wrdreg s26  }
0x18: {  	s26 =	simm.s32 $0x4E20;
	s0 =	simm.s32 $0x59D8;
	s23 =	sadd.s32 s20, s19  }
0x19: {  	s20 =	sadd.s32 s7, s24;
	s24 =	simm.s32 $0x157C0;
	s25 =	sadd.s32 $0x3E8, s23  }
0x1a: {  	s16 =	sadd.s32 $0x7D0, s23;
	s1 =	sshrl.u32 s25, $0x3;
	s25 =	simm.s32 $0x2  }
0x1b: {  	s22 =	sadd.s32 s1, s7;
	s23 =	sadd.s32 s1, s6;
	s1 =	simm.s32 $0xDAC0  }
.LBB2_1:
0x1c: {  	s15 =	rddreg [dreg:$0x1]  }
0x1d: {  	[tilespmem:s24], [sflag:$0x2] =	stream.linear.gather [hbm4b:s15+s3], $0x1A00, $0x38;
	[tilespmem:$0x171C0] =	vst v63  }
0x1e: {  	_ =	swait.ge [sflag:s25], $0x1A00  }
0x1f: {  	[sflag:s25] =	ssyncset.done $0x0  }
0x20: {  	[sflag:s25] =	ssyncadd.s32 $0xFFFFE600  }
0x21: {  	[spmem:s8] =	stream.linear.scatter [tilespmem:s24], [sflag:$0x2], $0x1A00, $0x38;
	[tilespmem:$0x171C0] =	vst v63  }
0x22: {  	_ =	swait.ge [sflag:s25], $0x1A00  }
0x23: {  	[sflag:s25] =	ssyncset.done $0x0  }
0x24: {  	[sflag:s25] =	ssyncadd.s32 $0xFFFFE600  }
0x25: {  	[spmem:s9] =	stream.linear.scatter [tilespmem:s24], [sflag:$0x2], $0x1A00, $0x38;
	[tilespmem:$0x171C0] =	vst v63  }
0x26: {  	_ =	swait.ge [sflag:s25], $0x1A00  }
0x27: {  	[sflag:s25] =	ssyncset.done $0x0  }
0x28: {  	[sflag:s25] =	ssyncadd.s32 $0xFFFFE600  }
0x29: {  	[spmem:s10] =	stream.linear.scatter [tilespmem:s24], [sflag:$0x2], $0x1A00, $0x38;
	[tilespmem:$0x171C0] =	vst v63  }
0x2a: {  	_ =	swait.ge [sflag:s25], $0x1A00  }
0x2b: {  	[sflag:s25] =	ssyncset.done $0x0  }
0x2c: {  	s15 =	simm.s32 @!p0 $0x157C0;
	[sflag:s25] =	ssyncadd.s32 $0xFFFFE600  }
0x2d: {  	[spmem:s11] =	stream.linear.scatter @!p0 [tilespmem:s15], [sflag:$0x2], $0x200, $0x38;
	[tilespmem:$0x171C0] =	vst v63  }
0x2e: {  	s15 =	simm.s32 @!p0 $0x2  }
0x2f: {  	_ =	swait.ge @!p0 [sflag:s15], $0x200  }
0x30: {  	[sflag:s15] =	ssyncset.done @!p0 $0x0  }
0x31: {  	[sflag:s15] =	ssyncadd.s32 @!p0 $0xFFFFFE00  }
0x32: {  	[bflag:$0x0] =	sbarrier.arrive $0xFFFF  }
0x33: {  	s19 =	rddreg [dreg:$0x4]  }
0x34: {  	[tilespmem:s26], [sflag:$0x2] =	stream.linear.gather [hbm4b:s19+s3], $0x3E8, $0x38;
	[tilespmem:$0x171C0] =	vst v63  }
0x35: {  	_ =	swait.ge [sflag:s25], $0x3E8  }
0x36: {  	[sflag:s25] =	ssyncset.done $0x0  }
0x37: {  	s21 =	rddreg [dreg:$0x5];
	[sflag:s25] =	ssyncadd.s32 $0xFFFFFC18  }
0x38: {  	[tilespmem:s28], [sflag:$0x2] =	stream.linear.gather [hbm4b:s21+s3], $0x3E8, $0x38;
	[tilespmem:$0x171C0] =	vst v63  }
0x39: {  	_ =	swait.ge [sflag:s25], $0x3E8  }
0x3a: {  	[sflag:s25] =	ssyncset.done $0x0  }
0x3b: {  	[sflag:s25] =	ssyncadd.s32 $0xFFFFFC18  }
0x3c: {  	[tilespmem:s30], [sflag:$0x1] =	stream.indirect.gather [hbm4b:s5+s29], $0x20, s26, s29, $0xb8;
	[tilespmem:$0x171C0] =	vst v63  }
0x3d: {  	s17 =	sadd.s32 $0x0, s23  }
0x3e: {  	[tilespmem:s31], [sflag:$0x2] =	stream.linear.gather [hbm4b:s17+s3], $0x3E8, $0x38;
	[tilespmem:$0x171C0] =	vst v63  }
0x3f: {  	_ =	swait.ge [sflag:s25], $0x3E8  }
0x40: {  	[sflag:s25] =	ssyncset.done $0x0  }
0x41: {  	s18 =	sadd.s32 $0x0, s22;
	[sflag:s25] =	ssyncadd.s32 $0xFFFFFC18  }
0x42: {  	[tilespmem:s0], [sflag:$0x2] =	stream.linear.gather [hbm4b:s18+s3], $0x3E8, $0x38;
	[tilespmem:$0x171C0] =	vst v63  }
0x43: {  	_ =	swait.ge [sflag:s25], $0x3E8  }
0x44: {  	[sflag:s25] =	ssyncset.done $0x0  }
0x45: {  	[sflag:s25] =	ssyncadd.s32 $0xFFFFFC18  }
0x46: {  	_ =	swait.ge [sflag:s4], $0x7D00  }
0x47: {  	[sflag:s4] =	ssyncset.done $0x0  }
0x48: {  	[sflag:s4] =	ssyncadd.s32 $0xFFFF8300  }
0x49: {  	[tilespmem:s1], [sflag:$0x1] =	stream.indirect.gather [hbm4b:s5+s29], $0x20, s31, s29, $0xb8;
	[tilespmem:$0x171C0] =	vst v63  }
0x4a: {  	_ = 	snop  }
0x4b: {  	[spmem:s2] =	stream.indirect.scatter.add.f32 [tilespmem:s30], [sflag:$0x2], $0x20, s28, s29, $0xb8;
	[tilespmem:$0x171C0] =	vst v63  }
0x4c: {  	_ =	swait.ge [sflag:s25], $0x7D00  }
0x4d: {  	s19 =	sshrl.u32 s16, $0x3;
	[sflag:s25] =	ssyncset.done $0x0  }
0x4e: {  	s21 =	sadd.s32 s6, s19;
	[sflag:s25] =	ssyncadd.s32 $0xFFFF8300  }
0x4f: {  	[tilespmem:s26], [sflag:$0x2] =	stream.linear.gather [hbm4b:s21+s3], $0x3E8, $0x38;
	[tilespmem:$0x171C0] =	vst v63  }
0x50: {  	_ =	swait.ge [sflag:s25], $0x3E8  }
0x51: {  	[sflag:s25] =	ssyncset.done $0x0  }
0x52: {  	s15 =	sadd.s32 s7, s19;
	[sflag:s25] =	ssyncadd.s32 $0xFFFFFC18  }
0x53: {  	[tilespmem:s28], [sflag:$0x2] =	stream.linear.gather [hbm4b:s15+s3], $0x3E8, $0x38;
	[tilespmem:$0x171C0] =	vst v63  }
0x54: {  	_ =	swait.ge [sflag:s25], $0x3E8  }
0x55: {  	[sflag:s25] =	ssyncset.done $0x0  }
0x56: {  	[sflag:s25] =	ssyncadd.s32 $0xFFFFFC18  }
0x57: {  	_ =	swait.ge [sflag:s4], $0x7D00  }
0x58: {  	[sflag:s4] =	ssyncset.done $0x0  }
0x59: {  	[sflag:s4] =	ssyncadd.s32 $0xFFFF8300  }
0x5a: {  	[tilespmem:s30], [sflag:$0x1] =	stream.indirect.gather [hbm4b:s5+s29], $0x20, s26, s29, $0xb8;
	[tilespmem:$0x171C0] =	vst v63  }
0x5b: {  	_ = 	snop  }
0x5c: {  	[spmem:s2] =	stream.indirect.scatter.add.f32 [tilespmem:s1], [sflag:$0x2], $0x20, s0, s29, $0xb8;
	[tilespmem:$0x171C0] =	vst v63  }
0x5d: {  	_ =	swait.ge [sflag:s25], $0x7D00  }
0x5e: {  	s21 =	smov.u32 s16;
	s15 =	simm.s32 $0xFA;
	[sflag:s25] =	ssyncset.done $0x0  }
.LBB2_2:
0x5f: {  	p1 =	sne.s32 s15, $0x2EE;
	[sflag:s25] =	ssyncadd.s32 $0xFFFF8300;
	s21 =	sadd.s32 $0x7D0, s21  }
0x60: {  	s17 =	sadd.s32 s15, s23;
	s18 =	smov.u32 s15;
	s15 =	sadd.s32 $0xFA, s15  }
0x61: {  	[tilespmem:s31], [sflag:$0x2] =	stream.linear.gather [hbm4b:s17+s3], $0x3E8, $0x38;
	[tilespmem:$0x171C0] =	vst v63  }
0x62: {  	_ =	swait.ge [sflag:s25], $0x3E8  }
0x63: {  	[sflag:s25] =	ssyncset.done $0x0  }
0x64: {  	s17 =	sadd.s32 s18, s22;
	[sflag:s25] =	ssyncadd.s32 $0xFFFFFC18  }
0x65: {  	[tilespmem:s0], [sflag:$0x2] =	stream.linear.gather [hbm4b:s17+s3], $0x3E8, $0x38;
	[tilespmem:$0x171C0] =	vst v63  }
0x66: {  	_ =	swait.ge [sflag:s25], $0x3E8  }
0x67: {  	[sflag:s25] =	ssyncset.done $0x0  }
0x68: {  	[sflag:s25] =	ssyncadd.s32 $0xFFFFFC18  }
0x69: {  	_ =	swait.ge [sflag:s4], $0x7D00  }
0x6a: {  	[sflag:s4] =	ssyncset.done $0x0  }
0x6b: {  	[sflag:s4] =	ssyncadd.s32 $0xFFFF8300  }
0x6c: {  	[tilespmem:s1], [sflag:$0x1] =	stream.indirect.gather [hbm4b:s5+s29], $0x20, s31, s29, $0xb8;
	[tilespmem:$0x171C0] =	vst v63  }
0x6d: {  	_ = 	snop  }
0x6e: {  	[spmem:s2] =	stream.indirect.scatter.add.f32 [tilespmem:s30], [sflag:$0x2], $0x20, s28, s29, $0xb8;
	[tilespmem:$0x171C0] =	vst v63  }
0x6f: {  	_ =	swait.ge [sflag:s25], $0x7D00  }
0x70: {  	s17 =	sshrl.u32 s21, $0x3;
	[sflag:s25] =	ssyncset.done $0x0  }
0x71: {  	s18 =	sadd.s32 s6, s17;
	[sflag:s25] =	ssyncadd.s32 $0xFFFF8300  }
0x72: {  	[tilespmem:s26], [sflag:$0x2] =	stream.linear.gather [hbm4b:s18+s3], $0x3E8, $0x38;
	[tilespmem:$0x171C0] =	vst v63  }
0x73: {  	_ =	swait.ge [sflag:s25], $0x3E8  }
0x74: {  	[sflag:s25] =	ssyncset.done $0x0  }
0x75: {  	s17 =	sadd.s32 s7, s17;
	[sflag:s25] =	ssyncadd.s32 $0xFFFFFC18  }
0x76: {  	[tilespmem:s28], [sflag:$0x2] =	stream.linear.gather [hbm4b:s17+s3], $0x3E8, $0x38;
	[tilespmem:$0x171C0] =	vst v63  }
0x77: {  	_ =	swait.ge [sflag:s25], $0x3E8  }
0x78: {  	[sflag:s25] =	ssyncset.done $0x0  }
0x79: {  	[sflag:s25] =	ssyncadd.s32 $0xFFFFFC18  }
0x7a: {  	_ =	swait.ge [sflag:s4], $0x7D00  }
0x7b: {  	[sflag:s4] =	ssyncset.done $0x0  }
0x7c: {  	[sflag:s4] =	ssyncadd.s32 $0xFFFF8300  }
0x7d: {  	[tilespmem:s30], [sflag:$0x1] =	stream.indirect.gather [hbm4b:s5+s29], $0x20, s26, s29, $0xb8;
	[tilespmem:$0x171C0] =	vst v63  }
.Ltmp0:
0x7e: {  	_ = 	snop;
	(pc) =	sbr.rel @p1 .LBB2_2-.Ltmp0, $4  }
0x7f: {  	_ = 	snop  }
0x80: {  	[spmem:s2] =	stream.indirect.scatter.add.f32 [tilespmem:s1], [sflag:$0x2], $0x20, s0, s29, $0xb8;
	[tilespmem:$0x171C0] =	vst v63  }
0x81: {  	_ =	swait.ge [sflag:s25], $0x7D00  }
0x82: {  	[sflag:s25] =	ssyncset.done $0x0  }
0x83: {  	[sflag:s25] =	ssyncadd.s32 $0xFFFF8300;
	s15 =	rddreg [dreg:$0xb]  }
0x84: {  	[tilespmem:s31], [sflag:$0x2] =	stream.linear.gather [hbm4b:s15+s3], $0x3E8, $0x38;
	[tilespmem:$0x171C0] =	vst v63  }
0x85: {  	_ =	swait.ge [sflag:s25], $0x3E8  }
0x86: {  	[sflag:s25] =	ssyncset.done $0x0  }
0x87: {  	[sflag:s25] =	ssyncadd.s32 $0xFFFFFC18  }
0x88: {  	[tilespmem:s0], [sflag:$0x2] =	stream.linear.gather [hbm4b:s20+s3], $0x3E8, $0x38;
	[tilespmem:$0x171C0] =	vst v63  }
0x89: {  	_ =	swait.ge [sflag:s25], $0x3E8  }
0x8a: {  	[sflag:s25] =	ssyncset.done $0x0  }
0x8b: {  	[sflag:s25] =	ssyncadd.s32 $0xFFFFFC18  }
0x8c: {  	_ =	swait.ge [sflag:s4], $0x7D00  }
0x8d: {  	[sflag:s4] =	ssyncset.done $0x0  }
0x8e: {  	[sflag:s4] =	ssyncadd.s32 $0xFFFF8300  }
0x8f: {  	[tilespmem:s1], [sflag:$0x1] =	stream.indirect.gather [hbm4b:s5+s29], $0x20, s31, s29, $0xb8;
	[tilespmem:$0x171C0] =	vst v63  }
0x90: {  	_ = 	snop  }
0x91: {  	[spmem:s2] =	stream.indirect.scatter.add.f32 [tilespmem:s30], [sflag:$0x2], $0x20, s28, s29, $0xb8;
	[tilespmem:$0x171C0] =	vst v63  }
0x92: {  	_ =	swait.ge [sflag:s25], $0x7D00  }
0x93: {  	[sflag:s25] =	ssyncset.done $0x0  }
0x94: {  	[sflag:s25] =	ssyncadd.s32 $0xFFFF8300  }
0x95: {  	_ =	swait.ge [sflag:s4], $0x7D00  }
0x96: {  	[sflag:s4] =	ssyncset.done $0x0  }
0x97: {  	[sflag:s4] =	ssyncadd.s32 $0xFFFF8300  }
0x98: {  	[spmem:s2] =	stream.indirect.scatter.add.f32 [tilespmem:s1], [sflag:$0x2], $0x20, s0, s29, $0xb8;
	[tilespmem:$0x171C0] =	vst v63  }
0x99: {  	_ =	swait.ge [sflag:s25], $0x7D00  }
0x9a: {  	[sflag:s25] =	ssyncset.done $0x0  }
0x9b: {  	[sflag:s25] =	ssyncadd.s32 $0xFFFF8300  }
0x9c: {  	[bflag:$0x0] =	sbarrier.arrive $0xFFFF  }
0x9d: {  	[tilespmem:s24], [sflag:$0x2] =	stream.linear.gather [spmem:s8], $0x1A00, $0x38;
	[tilespmem:$0x171C0] =	vst v63  }
0x9e: {  	_ =	swait.ge [sflag:s25], $0x1A00  }
0x9f: {  	[sflag:s25] =	ssyncset.done $0x0  }
0xa0: {  	s17 =	rddreg [dreg:$0x6];
	[sflag:s25] =	ssyncadd.s32 $0xFFFFE600  }
0xa1: {  	[hbm4b:s17+s12] =	stream.strided.scatter [tilespmem:s24], [sflag:$0x2], $0x1A00, s13, s12, $0x38;
	[tilespmem:$0x171C0] =	vst v63  }
0xa2: {  	_ =	swait.ge [sflag:s25], $0x1A00  }
0xa3: {  	[sflag:s25] =	ssyncset.done $0x0  }
0xa4: {  	[sflag:s25] =	ssyncadd.s32 $0xFFFFE600  }
0xa5: {  	[tilespmem:s24], [sflag:$0x2] =	stream.linear.gather [spmem:s9], $0x1A00, $0x38;
	[tilespmem:$0x171C0] =	vst v63  }
0xa6: {  	_ =	swait.ge [sflag:s25], $0x1A00  }
0xa7: {  	[sflag:s25] =	ssyncset.done $0x0  }
0xa8: {  	s18 =	rddreg [dreg:$0x7];
	[sflag:s25] =	ssyncadd.s32 $0xFFFFE600  }
0xa9: {  	[hbm4b:s18+s12] =	stream.strided.scatter [tilespmem:s24], [sflag:$0x2], $0x1A00, s13, s12, $0x38;
	[tilespmem:$0x171C0] =	vst v63  }
0xaa: {  	_ =	swait.ge [sflag:s25], $0x1A00  }
0xab: {  	[sflag:s25] =	ssyncset.done $0x0  }
0xac: {  	[sflag:s25] =	ssyncadd.s32 $0xFFFFE600  }
0xad: {  	[tilespmem:s24], [sflag:$0x2] =	stream.linear.gather [spmem:s10], $0x1A00, $0x38;
	[tilespmem:$0x171C0] =	vst v63  }
0xae: {  	_ =	swait.ge [sflag:s25], $0x1A00  }
0xaf: {  	[sflag:s25] =	ssyncset.done $0x0  }
0xb0: {  	s19 =	rddreg [dreg:$0x8];
	[sflag:s25] =	ssyncadd.s32 $0xFFFFE600  }
0xb1: {  	[hbm4b:s19+s12] =	stream.strided.scatter [tilespmem:s24], [sflag:$0x2], $0x1A00, s13, s12, $0x38;
	[tilespmem:$0x171C0] =	vst v63  }
0xb2: {  	_ =	swait.ge [sflag:s25], $0x1A00  }
0xb3: {  	[sflag:s25] =	ssyncset.done $0x0  }
0xb4: {  	s15 =	simm.s32 @!p0 $0x157C0;
	s17 =	simm.s32 @!p0 $0x2;
	[sflag:s25] =	ssyncadd.s32 $0xFFFFE600  }
0xb5: {  	[tilespmem:s15], [sflag:$0x2] =	stream.linear.gather @!p0 [spmem:s11], $0x200, $0x38;
	[tilespmem:$0x171C0] =	vst v63  }
0xb6: {  	_ =	swait.ge @!p0 [sflag:s17], $0x200  }
0xb7: {  	s21 =	simm.s32 @!p0 $0x80;
	[sflag:s17] =	ssyncset.done @!p0 $0x0  }
0xb8: {  	s18 =	simm.s32 @!p0 $0x20;
	s19 =	rddreg [dreg:$0x9];
	[sflag:s17] =	ssyncadd.s32 @!p0 $0xFFFFFE00  }
0xb9: {  	[hbm4b:s19+s18] =	stream.strided.scatter @!p0 [tilespmem:s15], [sflag:$0x2], $0x200, s21, s18, $0x38;
	[tilespmem:$0x171C0] =	vst v63  }
0xba: {  	_ =	swait.ge @!p0 [sflag:s17], $0x200  }
0xbb: {  	s14 =	sadd.s32 $0x1, s14;
	s21 =	rddreg [dreg:$0xa]  }
0xbc: {  	p1 =	sne.s32 s14, s21  }
.Ltmp1:
0xbd: {  	_ = 	snop;
	(pc) =	sbr.rel @p1 .LBB2_1-.Ltmp1, $3  }
0xbe: {  	_ =	sdelay $0x1  }
0xbf: {  	[sflag:s17] =	ssyncset.done @!p0 $0x0  }
0xc0: {  	[sflag:s17] =	ssyncadd.s32 @!p0 $0xFFFFFE00  }
0xc1: {  	_ =	sfence.sel $0x180000  }
0xc2: {  	[bflag:$0x0] =	sbarrier.arrive $0xFFFF  }
0xc3: {  	_ =	strace $0x9000004A  }
0xc4: {  	s0 =	stileid.u32;
	[bflag:$0x2] =	sbarrier.arrive $0xFFFF  }
0xc5: {  	p0 =	sne.s32 s0, $0x0;
	s0 =	rddreg [dreg:$0x3]  }
0xc6: {  	s0 =	sadd.s32 @!p0 $0x100000, s0  }
0xc7: {  	[sflag:s0] =	ssyncadd.tile.s32 @!p0 $0x1;
	_ =	shalt  }
.Lfunc_end2:
_tile_overlayer_lowered:
.L_overlay_start_2:
0xc8: {  	(tag) =	ssettag $0x2  }
0xc9: {  	s0 =	rddreg [dreg:$0x0];
	s2 =	stileid.u32  }
0xca: {  	s1 =	rddreg [dreg:$0x1];
	p0 =	sne.s32 s2, $0x0  }
0xcb: {  	s3 =	rddreg [dreg:$0x2];
	[bflag:$0x3] =	sbarrier.arrive $0xFFFF;
	s2 =	simm.s32 @!p0 $0x1C02  }
0xcc: {  	[timem:s3], [sflag:s2] =	dma.local @!p0 [hbm:s0], s1  }
0xcd: {  	s0 =	simm.s32 @!p0 $0x2  }
0xce: {  	_ =	swait.ge @!p0 [sflag:s0], s1  }
0xcf: {  	s1 =	ssub.s32 @!p0 $0x0, s1;
	[sflag:s0] =	ssyncset.done @!p0 $0x0  }
0xd0: {  	[sflag:s0] =	ssyncadd.s32 @!p0 s1  }
0xd1: {  	[bflag:$0x3] =	sbarrier.arrive $0xFFFF  }
0xd2: {  	_ =	shalt  }

// kernel: kernel.7.cloned.1.call-start
scs
__scs_entry_jumppad:
0x0: {  	(pc) =	sbr.rel $0x88, $3  }
0x1: {  	(tag) =	ssettag $0x0;
	lr =	simm.s32 $0x1  }
0x2: {  	[smem:$0x3F97] =	sst lr;
	_ =	strace $0xD0000000  }
0x3: {  	_ = 	snop  }
0x4: {  	_ = 	snop  }
0x5: {  	_ = 	snop  }
0x6: {  	_ = 	snop  }
0x7: {  	_ = 	snop  }
__scs_overlays_trampoline_lowered:
0x8: {  	[smem:$0x3FA6] =	sst s0  }
0x9: {  	[smem:$0x3FA7] =	sst s1  }
0xa: {  	[smem:$0x3FA8] =	sst s2  }
0xb: {  	[smem:$0x3FA9] =	sst s3  }
0xc: {  	[smem:$0x3FAA] =	sst s4  }
0xd: {  	[smem:$0x3FAB] =	sst s5  }
0xe: {  	[smem:$0x3FAC] =	sst s6  }
0xf: {  	[smem:$0x3FAD] =	sst s7  }
0x10: {  	[smem:$0x3FAE] =	sst s8  }
0x11: {  	[smem:$0x3FAF] =	sst s9;
	s0 =	simm.s32 @!p0 $0x0  }
0x12: {  	s1 =	sld [smem:$0x3F95];
	s0 =	simm.s32 @p0 $0x1  }
0x13: {  	[smem:$0x3FB0] =	sst s0;
	s0 =	simm.s32 @!p1 $0x0  }
0x14: {  	s2 =	sld [smem:$0x3F94];
	s0 =	simm.s32 @p1 $0x1  }
0x15: {  	[smem:$0x3FB1] =	sst s0;
	s0 =	simm.s32 @!p2 $0x0  }
0x16: {  	s3 =	sld [smem:$0x3FDB];
	s0 =	simm.s32 @p2 $0x1  }
0x17: {  	s4 =	simm.s32 $0x1BF5;
	[smem:$0x3FB3] =	sst s0  }
0x18: {  	s0 =	sld [smem:$0x3F96];
	_ =	swait.ge [sflag:s4], $0x0  }
0x19: {  	s7 =	sld [smem:$0x3F97]  }
0x1a: {  	s8 =	sadd.s32 $0xFFFFE003, lr  }
0x1b: {  	s9 =	sadd.s32 $0xFFFFFEF7, lr;
	s5 =	simm.s32 $0xFFFFFFFF;
	p2 =	slt.u32 s8, $0xFFFFF086  }
0x1c: {  	p1 =	slt.u32 s9, $0xF7A;
	s5 =	simm.s32 @!p2 $0x0  }
0x1d: {  	s5 =	simm.s32 @p1 $0x1;
	p0 =	seq.s32 s7, s2  }
0x1e: {  	s7 =	smul.u32 @!p0 $0xF7A, s2;
	p2 =	seq.s32 @!p0 s5, $0x0  }
0x1f: {  	s9 =	smul.u32 $0xF7A, s1;
	s8 =	simm.s32 @!p0 $0x1BF5;
	p2 =	por !p2, p0  }
0x20: {  	[sflag:s8] =	ssyncset.s32 @!p0 $0xFFFFF086;
	s6 =	sadd.s32 @!p0 s3, s7;
	s7 =	simm.s32 @!p0 $0x108  }
0x21: {  	s3 =	sadd.s32 s3, s9;
	s6 =	sadd.s32 @!p0 $0x88, s6;
	s7 =	simm.s32 @p2 $0x1082  }
0x22: {  	[simem:s7], [sflag:s8] =	dma.local @!p0 [hbm:s6], $0xF7A  }
0x23: {  	s9 =	sor.u32 $0xD0000000, s2;
	s6 =	simm.s32 $0x108;
	_ =	swait.ge @!p0 [sflag:s8], $0x0  }
0x24: {  	s3 =	sadd.s32 $0x88, s3;
	s6 =	simm.s32 @!p1 $0x1082;
	[sflag:s4] =	ssyncset.s32 $0xFFFFF086  }
0x25: {  	[simem:s6], [sflag:s4] =	dma.local [hbm:s3], $0xF7A  }
0x26: {  	[smem:$0x3F97] =	sst s1;
	(tag) =	ssettag s2;
	_ =	strace s9  }
0x27: {  	s1 =	sld [smem:$0x3FA7]  }
0x28: {  	s2 =	sld [smem:$0x3FA8]  }
0x29: {  	s4 =	sld [smem:$0x3FAA]  }
0x2a: {  	p0 =	seq.s32 s5, $0x0;
	s5 =	sld [smem:$0x3FAB]  }
0x2b: {  	s6 =	sld [smem:$0x3FAC]  }
0x2c: {  	s7 =	sld [smem:$0x3FAD]  }
0x2d: {  	s3 =	simm.s32 $0x108;
	s8 =	sld [smem:$0x3FAE]  }
0x2e: {  	s3 =	simm.s32 @!p0 $0x1082;
	s9 =	sld [smem:$0x3FAF]  }
0x2f: {  	lr =	sadd.s32 s0, s3;
	s0 =	sld [smem:$0x3FA6]  }
0x30: {  	s3 =	sld [smem:$0x3FA9]  }
0x31: {  	[smem:$0x3FB2] =	sst s10  }
0x32: {  	s10 =	sld [smem:$0x3FB0];
	_ =	sdelay $0x3  }
0x33: {  	p0 =	seq.s32 s10, $0x1;
	s10 =	sld [smem:$0x3FB2];
	_ =	sdelay $0x3  }
0x34: {  	[smem:$0x3FB2] =	sst s10  }
0x35: {  	s10 =	sld [smem:$0x3FB1];
	_ =	sdelay $0x3  }
0x36: {  	p1 =	seq.s32 s10, $0x1;
	s10 =	sld [smem:$0x3FB2];
	_ =	sdelay $0x3  }
0x37: {  	[smem:$0x3FB2] =	sst s10  }
0x38: {  	s10 =	sld [smem:$0x3FB3]  }
0x39: {  	_ = 	snop;
	(pc) =	sbr.ind lr, $3  }
0x3a: {  	_ = 	snop  }
0x3b: {  	_ = 	snop  }
0x3c: {  	p2 =	seq.s32 s10, $0x1;
	s10 =	sld [smem:$0x3FB2]  }
0x3d: {  	_ =	shalt  }
0x3e: {  	_ =	shalt  }
0x3f: {  	_ =	shalt  }
0x40: {  	_ =	shalt  }
0x41: {  	_ =	shalt  }
0x42: {  	_ =	shalt  }
0x43: {  	_ =	shalt  }
0x44: {  	_ =	shalt  }
0x45: {  	_ =	shalt  }
0x46: {  	_ =	shalt  }
0x47: {  	_ =	shalt  }
0x48: {  	_ =	shalt  }
0x49: {  	_ =	shalt  }
0x4a: {  	_ =	shalt  }
0x4b: {  	_ =	shalt  }
0x4c: {  	_ =	shalt  }
0x4d: {  	_ =	shalt  }
0x4e: {  	_ =	shalt  }
0x4f: {  	_ =	shalt  }
0x50: {  	_ =	shalt  }
0x51: {  	_ =	shalt  }
0x52: {  	_ =	shalt  }
0x53: {  	_ =	shalt  }
0x54: {  	_ =	shalt  }
0x55: {  	_ =	shalt  }
0x56: {  	_ =	shalt  }
0x57: {  	_ =	shalt  }
0x58: {  	_ =	shalt  }
0x59: {  	_ =	shalt  }
0x5a: {  	_ =	shalt  }
0x5b: {  	_ =	shalt  }
0x5c: {  	_ =	shalt  }
0x5d: {  	_ =	shalt  }
0x5e: {  	_ =	shalt  }
0x5f: {  	_ =	shalt  }
0x60: {  	_ =	shalt  }
0x61: {  	_ =	shalt  }
0x62: {  	_ =	shalt  }
0x63: {  	_ =	shalt  }
0x64: {  	_ =	shalt  }
0x65: {  	_ =	shalt  }
0x66: {  	_ =	shalt  }
0x67: {  	_ =	shalt  }
0x68: {  	_ =	shalt  }
0x69: {  	_ =	shalt  }
0x6a: {  	_ =	shalt  }
0x6b: {  	_ =	shalt  }
0x6c: {  	_ =	shalt  }
0x6d: {  	_ =	shalt  }
0x6e: {  	_ =	shalt  }
0x6f: {  	_ =	shalt  }
0x70: {  	_ =	shalt  }
0x71: {  	_ =	shalt  }
0x72: {  	_ =	shalt  }
0x73: {  	_ =	shalt  }
0x74: {  	_ =	shalt  }
0x75: {  	_ =	shalt  }
0x76: {  	_ =	shalt  }
0x77: {  	_ =	shalt  }
0x78: {  	_ =	shalt  }
0x79: {  	_ =	shalt  }
0x7a: {  	_ =	shalt  }
0x7b: {  	_ =	shalt  }
0x7c: {  	_ =	shalt  }
0x7d: {  	_ =	shalt  }
0x7e: {  	_ =	shalt  }
0x7f: {  	_ =	shalt  }
0x80: {  	_ =	shalt  }
0x81: {  	_ =	shalt  }
0x82: {  	_ =	shalt  }
0x83: {  	_ =	shalt  }
0x84: {  	_ =	shalt  }
0x85: {  	_ =	shalt  }
0x86: {  	_ =	shalt  }
0x87: {  	_ =	shalt  }
.Lfunc_end0:
.L_simem_size_0:
called_computation_lowered:
.L_overlay_start_0:
0x88: {  	s2 =	sld [smem:$0x3FD9]  }
0x89: {  	s3 =	sld [smem:$0x3FFE];
	_ =	sdelay $0x1  }
0x8a: {  	s1 =	srdreg.scid  }
0x8b: {  	s0 =	sand.u32 $0x1, s1  }
0x8c: {  	s17 =	sshll.u32 s0, $0xA;
	s2 =	sadd.s32 s3, s2  }
0x8d: {  	s2 =	sadd.s32 s2, s17  }
0x8e: {  	[smem:$0x3FBE] =	sst s2  }
0x8f: {  	_ = 	snop  }
0x90: {  	s2 =	sld [smem:$0x3FD0];
	(tm) =	ssettm $0x1  }
0x91: {  	s18 =	sld [smem:$0x3FFB];
	_ =	sdelay $0x3  }
0x92: {  	_ =	strace s18  }
0x93: {  	s3 =	sld [smem:$0x3FFC];
	_ =	sdelay $0x3  }
0x94: {  	_ =	strace s3  }
0x95: {  	s3 =	sld [smem:$0x3FFD];
	_ =	sdelay $0x3  }
0x96: {  	_ =	strace s3  }
0x97: {  	_ =	strace $0x8FFFFFFF  }
0x98: {  	s19 =	sld [smem:$0x3FDB];
	_ =	sdelay $0x1  }
0x99: {  	s4 =	simm.s32 $_scs_section_size  }
0x9a: {  	s5 =	simm.s32 $_size__tile_overlayer_lowered;
	s6 =	simm.s32 $_tile_overlayer_lowered  }
0x9b: {  	s22 =	simm.s32 $0x1BFF;
	s21 =	sshll.u32 s6, $0x1;
	s3 =	sadd.s32 s4, s19  }
0x9c: {  	s7 =	simm.s32 $0x0;
	s20 =	sshll.u32 s5, $0x1;
	s5 =	sadd.s32 s21, s3  }
0x9d: {  	[timem:s7], [sflag:s22] =	dma.local [hbm:s5], s20  }
0x9e: {  	_ =	swait.ge [sflag:s22], s20  }
0x9f: {  	s4 =	ssub.s32 $0x0, s20;
	[sflag:s22] =	ssyncset.done $0x0  }
0xa0: {  	[sflag:s22] =	ssyncadd.s32 s4;
	_ =	sdelay $0x1  }
0xa1: {  	s23 =	simm.s32 $0x1B8B  }
0xa2: {  	_ =	swait.ge [sflag:s23], $0x1  }
0xa3: {  	[sflag:s23] =	ssyncset.done $0x0  }
0xa4: {  	s25 =	simm.s32 $0x1B8E;
	s24 =	sld [smem:$0x3FFE];
	[sflag:s23] =	ssyncadd.s32 $0xFFFFFFFF  }
0xa5: {  	s26 =	simm.s32 $execute0_lowered;
	[smem:$0x3FD2] =	sst s25  }
0xa6: {  	s5 =	sshll.u32 s26, $0x1;
	_ =	strace $0x80000046;
	[dreg:$0x1] =	wrdreg $0xFFFFFFFF  }
0xa7: {  	s28 =	simm.s32 $_size_execute0_lowered;
	s3 =	sadd.s32 s3, s5;
	[dreg:$0x0] =	wrdreg $0x0  }
0xa8: {  	s5 =	sshll.u32 s28, $0x1;
	[dreg:$0x2] =	wrdreg s3  }
0xa9: {  	[dreg:$0x3] =	wrdreg s5  }
0xaa: {  	[dreg:$0x4] =	wrdreg $0xC0  }
0xab: {  	_ =	task [dreg:s7], $0x5FFFF  }
0xac: {  	[dreg:$0x1] =	wrdreg $0xFFFFFFFF  }
0xad: {  	[dreg:$0x0] =	wrdreg $0x60  }
0xae: {  	[dreg:$0x2] =	wrdreg s24  }
0xaf: {  	[dreg:$0x3] =	wrdreg s2  }
0xb0: {  	[dreg:$0x4] =	wrdreg $0x0  }
0xb1: {  	[dreg:$0x5] =	wrdreg $0x19E800  }
0xb2: {  	[dreg:$0x6] =	wrdreg $0x9  }
0xb3: {  	_ =	task.clear_ibuf [dreg:s7], $0x7FFFF;
	_ =	strace $0x90000046  }
0xb4: {  	s29 =	simm.s32 $0x9;
	_ =	strace $0x80000048  }
0xb5: {  	_ =	swait.ge [sflag:s29], $0x1  }
0xb6: {  	[sflag:s29] =	ssyncadd.s32 $0xFFFFFFFF  }
0xb7: {  	_ =	strace $0x90000048  }
0xb8: {  	_ =	sfence  }
0xb9: {  	s30 =	sld [smem:$0x0];
	_ =	sdelay $0x2  }
0xba: {  	s31 =	sshll.u32 s1, $0xD;
	s1 =	sshrl.u32 s1, $0x2  }
0xbb: {  	s3 =	sand.u32 $0x4000, s31;
	s1 =	sadd.s32 s1, s30  }
0xbc: {  	s0 =	sor.u32 s3, s0;
	s1 =	sshll.u32 s1, $0x11  }
0xbd: {  	s0 =	sor.u32 s1, s0  }
0xbe: {  	s0 =	sadd.s32 $0x8F2B, s0  }
0xbf: {  	[sflag:s0] =	ssyncadd.remote.s32 $0x1  }
0xc0: {  	_ =	sfence.sel $0xFFFF  }
0xc1: {  	[dreg:$0x0] =	wrdreg $0xFFFFFFFF;
	(pc) =	sbr.abs _section_cstart, $3  }
0xc2: {  	[dreg:$0x1] =	wrdreg $0xFFFFFFFF  }
0xc3: {  	_ =	task.clear_ibuf [dreg:s7], $0x2FFFF;
	_ =	strace $0x9FFFFFFF  }
0xc4: {  	(tm) =	ssettm $0x7FFFFFFF  }
0xc5: {  	_ =	shalt  }
tec
execute0_lowered:
.L_overlay_start_1:
0x0: {  	(tag) =	ssettag $0x1  }
0x1: {  	s0 =	rddreg [dreg:$0x0]  }
0x2: {  	s2 =	rddreg [dreg:$0x2]  }
0x3: {  	s4 =	rddreg [dreg:$0x3];
	s5 =	simm.s32 $0x0;
	s1 =	srdreg.scid  }
0x4: {  	s20 =	stileid.u32;
	s28 =	simm.s32 $0x16A80;
	s29 =	simm.s32 $0x2  }
0x5: {  	s30 =	simm.s32 $0x9C40;
	s31 =	simm.s32 $0x9DD0;
	[smem:$0x7FF] =	sst s5  }
0x6: {  	s1 =	sand.u32 $0x1, s1;
	s3 =	smul.u32 $0x3E8, s20;
	s6 =	sadd.s32 $0x15E00, s0  }
0x7: {  	s7 =	sadd.s32 $0xC000, s0;
	s8 =	sadd.s32 $0x2200, s0;
	s12 =	smul.u32 $0x270, s20  }
0x8: {  	s10 =	sadd.s32 $0x29800, s0;
	s13 =	sadd.s32 $0x29A00, s0;
	s16 =	smul.u32 $0x27000, s20  }
0x9: {  	s15 =	sshll.u32 s20, $0x1;
	s18 =	smul.u32 $0xFA0, s20;
	p0 =	sne.s32 s20, $0xF  }
0xa: {  	_ =	strace $0x80000047;
	s9 =	smul.u32 $0x2710, s1;
	[dreg:$0x5] =	wrdreg s10  }
0xb: {  	s11 =	ssub.s32 $0x2, s1;
	s21 =	sor.u32 s1, s15;
	s25 =	sshll.u32 s1, $0x6  }
0xc: {  	s1 =	sshll.u32 s1, $0x3;
	p2 =	sgt.u32 @p0 s20, $0x9;
	s14 =	sshrl.u32 s11, $0x1  }
0xd: {  	s15 =	smul.u32 $0x2710, s21;
	s22 =	sshrl.u32 s16, $0x2;
	s23 =	sadd.s32 $0xD0, s12  }
0xe: {  	s17 =	sadd.s32 $0x1A0, s12;
	s18 =	sshrl.u32 s18, $0x2;
	s1 =	sadd.s32 s1, s13  }
0xf: {  	p1 =	por p2, !p0;
	p2 =	por !p2, !p0;
	s19 =	sadd.s32 s3, s9  }
0x10: {  	s14 =	ssub.s32 s11, s14;
	s24 =	sshll.u32 s23, $0x6;
	s12 =	sshll.u32 s17, $0x6  }
0x11: {  	s18 =	sadd.s32 s18, s4;
	s16 =	sshll.u32 s23, $0x7;
	s1 =	sadd.s32 $0x27000, s1  }
0x12: {  	s3 =	sadd.s32 s3, s4;
	s10 =	sshrl.u32 s19, $0x3;
	s11 =	sadd.s32 s24, s2  }
0x13: {  	s12 =	sadd.s32 s12, s2;
	s19 =	smul.u32 $0x13800, s20;
	[dreg:$0x6] =	wrdreg s18  }
0x14: {  	s15 =	sshrl.u32 s15, $0x3;
	s16 =	sor.u32 s25, s16;
	[dreg:$0xc] =	wrdreg s1  }
0x15: {  	[dreg:$0xd] =	wrdreg s3;
	s3 =	simm.s32 $0xA280;
	s1 =	simm.s32 $0x9F60  }
0x16: {  	s18 =	simm.s32 $0x0;
	s0 =	sadd.s32 s10, s0;
	s21 =	sadd.s32 s7, s15  }
0x17: {  	s10 =	sadd.s32 s22, s2;
	s15 =	sadd.s32 s8, s15;
	[dreg:$0x7] =	wrdreg s21  }
0x18: {  	s22 =	smul.u32 $0x4E20, s20;
	s19 =	sor.u32 s25, s19;
	[dreg:$0x8] =	wrdreg s15  }
0x19: {  	s21 =	sshll.u32 s17, $0x7;
	s0 =	sadd.s32 $0x50C00, s0;
	s26 =	sshrl.u32 s19, $0x3  }
0x1a: {  	s19 =	sshrl.u32 s16, $0x3;
	s16 =	sor.u32 s25, s21;
	s24 =	sadd.s32 s9, s22  }
0x1b: {  	[dreg:$0xe] =	wrdreg s0;
	s9 =	simm.s32 $0xA0F0;
	s15 =	sadd.s32 s13, s26  }
0x1c: {  	s23 =	sshrl.u32 s16, $0x3;
	s25 =	sadd.s32 $0x190, s24;
	s26 =	smax.u32 s14, $0x1  }
0x1d: {  	s14 =	simm.s32 $0x10680;
	[dreg:$0x9] =	wrdreg s15;
	s15 =	sadd.s32 s13, s19  }
0x1e: {  	s13 =	sadd.s32 s13, s23;
	[dreg:$0xf] =	wrdreg s26;
	s0 =	sshrl.u32 s25, $0x3  }
0x1f: {  	s23 =	sadd.s32 $0x320, s24;
	s26 =	sadd.s32 $0x9C000, s2;
	[dreg:$0xa] =	wrdreg s15  }
0x20: {  	[dreg:$0xb] =	wrdreg s13;
	s24 =	sadd.s32 s0, s8;
	s25 =	sadd.s32 s0, s7  }
0x21: {  	v0 =	vimm.f32 $1.000000000e+00;
	s0 =	simm.s32 $0x190;
	s13 =	simm.s32 $0x1;
	s15 =	simm.s32 $0x1A0F8  }
.LBB2_1:
0x22: {  	s16 =	rddreg [dreg:$0x1]  }
0x23: {  	[tilespmem:s28], [sflag:$0x2] =	stream.linear.gather [hbm4b:s16+s5], $0x3400, $0x38;
	[tilespmem:$0x1A670] =	vst v63  }
0x24: {  	_ =	swait.ge [sflag:s29], $0x3400  }
0x25: {  	[sflag:s29] =	ssyncset.done $0x0  }
0x26: {  	[sflag:s29] =	ssyncadd.s32 $0xFFFFCC00  }
0x27: {  	[spmem:s10] =	stream.linear.scatter [tilespmem:s28], [sflag:$0x2], $0x3400, $0x38;
	[tilespmem:$0x1A670] =	vst v63  }
0x28: {  	_ =	swait.ge [sflag:s29], $0x3400  }
0x29: {  	[sflag:s29] =	ssyncset.done $0x0  }
0x2a: {  	[sflag:s29] =	ssyncadd.s32 $0xFFFFCC00  }
0x2b: {  	[spmem:s11] =	stream.linear.scatter [tilespmem:s28], [sflag:$0x2], $0x3400, $0x38;
	[tilespmem:$0x1A670] =	vst v63  }
0x2c: {  	_ =	swait.ge [sflag:s29], $0x3400  }
0x2d: {  	[sflag:s29] =	ssyncset.done $0x0  }
0x2e: {  	[sflag:s29] =	ssyncadd.s32 $0xFFFFCC00  }
0x2f: {  	[spmem:s12] =	stream.linear.scatter [tilespmem:s28], [sflag:$0x2], $0x3400, $0x38;
	[tilespmem:$0x1A670] =	vst v63  }
0x30: {  	_ =	swait.ge [sflag:s29], $0x3400  }
0x31: {  	s19 =	simm.s32 @!p1 $0x0;
	[sflag:s29] =	ssyncset.done $0x0  }
0x32: {  	s20 =	simm.s32 @!p1 $0x1A288;
	s16 =	rddreg [dreg:$0x5];
	[sflag:s29] =	ssyncadd.s32 $0xFFFFCC00  }
0x33: {  	[tilespmem:s20], [sflag:$0x2] =	stream.linear.gather @!p1 [hbm4b:s16+s19], $0x3E8, $0x38;
	[tilespmem:$0x1A670] =	vst v63  }
0x34: {  	s19 =	simm.s32 @!p1 $0x2  }
0x35: {  	_ =	swait.ge @!p1 [sflag:s19], $0x3E8  }
0x36: {  	[sflag:s19] =	ssyncset.done @!p1 $0x0  }
0x37: {  	s16 =	rddreg [dreg:$0x6];
	[sflag:s19] =	ssyncadd.s32 @!p1 $0xFFFFFC18  }
0x38: {  	[spmem:s16] =	stream.linear.scatter @!p1 [tilespmem:s20], [sflag:$0x2], $0x3E8, $0x38;
	[tilespmem:$0x1A670] =	vst v63  }
0x39: {  	_ =	swait.ge @!p1 [sflag:s19], $0x3E8  }
0x3a: {  	[sflag:s19] =	ssyncset.done @!p1 $0x0  }
0x3b: {  	[sflag:s19] =	ssyncadd.s32 @!p1 $0xFFFFFC18;
	s19 =	simm.s32 @!p0 $0x16A80  }
0x3c: {  	[spmem:s26] =	stream.linear.scatter @!p0 [tilespmem:s19], [sflag:$0x2], $0x400, $0x38;
	[tilespmem:$0x1A670] =	vst v63  }
0x3d: {  	s19 =	simm.s32 @!p0 $0x2  }
0x3e: {  	_ =	swait.ge @!p0 [sflag:s19], $0x400  }
0x3f: {  	[sflag:s19] =	ssyncset.done @!p0 $0x0  }
0x40: {  	[sflag:s19] =	ssyncadd.s32 @!p0 $0xFFFFFC00  }
0x41: {  	[tilespmem:$0x1A0F8] =	vst v0  }
0x42: {  	[tilespmem:$0x1A108] =	vst v0  }
0x43: {  	[tilespmem:$0x1A118] =	vst v0  }
0x44: {  	[tilespmem:$0x1A128] =	vst v0  }
0x45: {  	[tilespmem:$0x1A138] =	vst v0  }
0x46: {  	[tilespmem:$0x1A148] =	vst v0  }
0x47: {  	[tilespmem:$0x1A158] =	vst v0  }
0x48: {  	[tilespmem:$0x1A168] =	vst v0  }
0x49: {  	[tilespmem:$0x1A178] =	vst v0  }
0x4a: {  	[tilespmem:$0x1A188] =	vst v0  }
0x4b: {  	[tilespmem:$0x1A198] =	vst v0  }
0x4c: {  	[tilespmem:$0x1A1A8] =	vst v0  }
0x4d: {  	[tilespmem:$0x1A1B8] =	vst v0  }
0x4e: {  	[tilespmem:$0x1A1C8] =	vst v0  }
0x4f: {  	[tilespmem:$0x1A1D8] =	vst v0  }
0x50: {  	[tilespmem:$0x1A1E8] =	vst v0  }
0x51: {  	[tilespmem:$0x1A1F8] =	vst v0  }
0x52: {  	[tilespmem:$0x1A208] =	vst v0  }
0x53: {  	[tilespmem:$0x1A218] =	vst v0  }
0x54: {  	[tilespmem:$0x1A228] =	vst v0  }
0x55: {  	[tilespmem:$0x1A238] =	vst v0  }
0x56: {  	[tilespmem:$0x1A248] =	vst v0  }
0x57: {  	[tilespmem:$0x1A258] =	vst v0  }
0x58: {  	[tilespmem:$0x1A268] =	vst v0  }
0x59: {  	[tilespmem:$0x1A278] =	vst v0  }
0x5a: {  	[bflag:$0x0] =	sbarrier.arrive $0xFFFF  }
0x5b: {  	s21 =	rddreg [dreg:$0x7]  }
0x5c: {  	[tilespmem:s30], [sflag:$0x2] =	stream.linear.gather [hbm4b:s21+s5], $0x190, $0x38;
	[tilespmem:$0x1A670] =	vst v63  }
0x5d: {  	_ =	swait.ge [sflag:s29], $0x190  }
0x5e: {  	[sflag:s29] =	ssyncset.done $0x0  }
0x5f: {  	s22 =	rddreg [dreg:$0x8];
	[sflag:s29] =	ssyncadd.s32 $0xFFFFFE70  }
0x60: {  	[tilespmem:s31], [sflag:$0x2] =	stream.linear.gather [hbm4b:s22+s5], $0x190, $0x38;
	[tilespmem:$0x1A670] =	vst v63  }
0x61: {  	_ =	swait.ge [sflag:s29], $0x190  }
0x62: {  	[sflag:s29] =	ssyncset.done $0x0  }
0x63: {  	[sflag:s29] =	ssyncadd.s32 $0xFFFFFE70  }
0x64: {  	[tilespmem:s3], [sflag:$0x1] =	stream.indirect.gather [hbm4b:s6+s0], $0x40, s30, s0, $0xb8;
	[tilespmem:$0x1A670] =	vst v63  }
0x65: {  	s17 =	sadd.s32 $0x0, s25  }
0x66: {  	[tilespmem:s1], [sflag:$0x2] =	stream.linear.gather [hbm4b:s17+s5], $0x190, $0x38;
	[tilespmem:$0x1A670] =	vst v63  }
0x67: {  	_ =	swait.ge [sflag:s29], $0x190  }
0x68: {  	[sflag:s29] =	ssyncset.done $0x0  }
0x69: {  	s20 =	sadd.s32 $0x0, s24;
	[sflag:s29] =	ssyncadd.s32 $0xFFFFFE70  }
0x6a: {  	[tilespmem:s9], [sflag:$0x2] =	stream.linear.gather [hbm4b:s20+s5], $0x190, $0x38;
	[tilespmem:$0x1A670] =	vst v63  }
0x6b: {  	_ =	swait.ge [sflag:s29], $0x190  }
0x6c: {  	[sflag:s29] =	ssyncset.done $0x0  }
0x6d: {  	[sflag:s29] =	ssyncadd.s32 $0xFFFFFE70  }
0x6e: {  	_ =	swait.ge [sflag:s13], $0x6400  }
0x6f: {  	[sflag:s13] =	ssyncset.done $0x0  }
0x70: {  	[sflag:s13] =	ssyncadd.s32 $0xFFFF9C00  }
0x71: {  	[tilespmem:s14], [sflag:$0x1] =	stream.indirect.gather [hbm4b:s6+s0], $0x40, s1, s0, $0xb8;
	[tilespmem:$0x1A670] =	vst v63  }
0x72: {  	_ = 	snop  }
0x73: {  	[spmem:s2] =	stream.indirect.scatter.add.f32 [tilespmem:s3], [sflag:$0x2], $0x40, s31, s0, $0xb8;
	[tilespmem:$0x1A670] =	vst v63  }
0x74: {  	_ =	swait.ge [sflag:s29], $0x6400  }
0x75: {  	[sflag:s29] =	ssyncset.done $0x0  }
0x76: {  	[sflag:s29] =	ssyncadd.s32 $0xFFFF9C00  }
0x77: {  	[spmem:s4] =	stream.indirect.scatter.add.f32 [tilespmem:s15], [sflag:$0x2], $0x1, s31, s0, $0xb8;
	[tilespmem:$0x1A670] =	vst v63  }
0x78: {  	_ =	swait.ge [sflag:s29], $0x190  }
0x79: {  	s21 =	sshrl.u32 s23, $0x3;
	[sflag:s29] =	ssyncset.done $0x0  }
0x7a: {  	s22 =	sadd.s32 s7, s21;
	[sflag:s29] =	ssyncadd.s32 $0xFFFFFE70  }
0x7b: {  	[tilespmem:s30], [sflag:$0x2] =	stream.linear.gather [hbm4b:s22+s5], $0x190, $0x38;
	[tilespmem:$0x1A670] =	vst v63  }
0x7c: {  	_ =	swait.ge [sflag:s29], $0x190  }
0x7d: {  	[sflag:s29] =	ssyncset.done $0x0  }
0x7e: {  	s19 =	sadd.s32 s8, s21;
	[sflag:s29] =	ssyncadd.s32 $0xFFFFFE70  }
0x7f: {  	[tilespmem:s31], [sflag:$0x2] =	stream.linear.gather [hbm4b:s19+s5], $0x190, $0x38;
	[tilespmem:$0x1A670] =	vst v63  }
0x80: {  	_ =	swait.ge [sflag:s29], $0x190  }
0x81: {  	[sflag:s29] =	ssyncset.done $0x0  }
0x82: {  	[sflag:s29] =	ssyncadd.s32 $0xFFFFFE70  }
0x83: {  	_ =	swait.ge [sflag:s13], $0x6400  }
0x84: {  	[sflag:s13] =	ssyncset.done $0x0  }
0x85: {  	[sflag:s13] =	ssyncadd.s32 $0xFFFF9C00  }
0x86: {  	[tilespmem:s3], [sflag:$0x1] =	stream.indirect.gather [hbm4b:s6+s0], $0x40, s30, s0, $0xb8;
	[tilespmem:$0x1A670] =	vst v63  }
0x87: {  	_ = 	snop  }
0x88: {  	[spmem:s2] =	stream.indirect.scatter.add.f32 [tilespmem:s14], [sflag:$0x2], $0x40, s9, s0, $0xb8;
	[tilespmem:$0x1A670] =	vst v63  }
0x89: {  	_ =	swait.ge [sflag:s29], $0x6400  }
0x8a: {  	p4 =	por @p0 $0x0, $0x0;
	p3 =	por @!p1 $0x1, $0x1;
	[sflag:s29] =	ssyncset.done $0x0  }
0x8b: {  	p3 =	por @!p2 p4, p4;
	p4 =	por @!p0 $0x0, $0x0;
	[sflag:s29] =	ssyncadd.s32 $0xFFFF9C00  }
0x8c: {  	[spmem:s4] =	stream.indirect.scatter.add.f32 [tilespmem:s15], [sflag:$0x2], $0x1, s9, s0, $0xb8;
	[tilespmem:$0x1A670] =	vst v63  }
0x8d: {  	p3 =	por @!p0 p4, p4;
	s21 =	simm.s32 $0xC8;
	_ =	swait.ge [sflag:s29], $0x190  }
0x8e: {  	s20 =	simm.s32 $0x64;
	s19 =	sadd.s32 $0x320, s23;
	[sflag:s29] =	ssyncset.done $0x0  }
.LBB2_2:
0x8f: {  	s16 =	sadd.s32 s20, s25  }
0x90: {  	[sflag:s29] =	ssyncadd.s32 $0xFFFFFE70;
	s17 =	smov.u32 s21;
	s22 =	sadd.s32 $0x64, s21  }
0x91: {  	[tilespmem:s1], [sflag:$0x2] =	stream.linear.gather [hbm4b:s16+s5], $0x190, $0x38;
	[tilespmem:$0x1A670] =	vst v63  }
0x92: {  	p4 =	sne.s32 s21, $0x44C;
	_ =	swait.ge [sflag:s29], $0x190  }
0x93: {  	[sflag:s29] =	ssyncset.done $0x0  }
0x94: {  	s16 =	sadd.s32 s20, s24;
	s20 =	smov.u32 s17;
	[sflag:s29] =	ssyncadd.s32 $0xFFFFFE70  }
0x95: {  	[tilespmem:s9], [sflag:$0x2] =	stream.linear.gather [hbm4b:s16+s5], $0x190, $0x38;
	[tilespmem:$0x1A670] =	vst v63  }
0x96: {  	_ =	swait.ge [sflag:s29], $0x190  }
0x97: {  	[sflag:s29] =	ssyncset.done $0x0  }
0x98: {  	[sflag:s29] =	ssyncadd.s32 $0xFFFFFE70  }
0x99: {  	_ =	swait.ge [sflag:s13], $0x6400  }
0x9a: {  	[sflag:s13] =	ssyncset.done $0x0  }
0x9b: {  	[sflag:s13] =	ssyncadd.s32 $0xFFFF9C00  }
0x9c: {  	[tilespmem:s14], [sflag:$0x1] =	stream.indirect.gather [hbm4b:s6+s0], $0x40, s1, s0, $0xb8;
	[tilespmem:$0x1A670] =	vst v63  }
0x9d: {  	_ = 	snop  }
0x9e: {  	[spmem:s2] =	stream.indirect.scatter.add.f32 [tilespmem:s3], [sflag:$0x2], $0x40, s31, s0, $0xb8;
	[tilespmem:$0x1A670] =	vst v63  }
0x9f: {  	_ =	swait.ge [sflag:s29], $0x6400  }
0xa0: {  	[sflag:s29] =	ssyncset.done $0x0  }
0xa1: {  	[sflag:s29] =	ssyncadd.s32 $0xFFFF9C00  }
0xa2: {  	[spmem:s4] =	stream.indirect.scatter.add.f32 [tilespmem:s15], [sflag:$0x2], $0x1, s31, s0, $0xb8;
	[tilespmem:$0x1A670] =	vst v63  }
0xa3: {  	_ =	swait.ge [sflag:s29], $0x190  }
0xa4: {  	s16 =	sshrl.u32 s19, $0x3;
	[sflag:s29] =	ssyncset.done $0x0  }
0xa5: {  	s17 =	sadd.s32 s7, s16;
	[sflag:s29] =	ssyncadd.s32 $0xFFFFFE70  }
0xa6: {  	[tilespmem:s30], [sflag:$0x2] =	stream.linear.gather [hbm4b:s17+s5], $0x190, $0x38;
	[tilespmem:$0x1A670] =	vst v63  }
0xa7: {  	_ =	swait.ge [sflag:s29], $0x190  }
0xa8: {  	[sflag:s29] =	ssyncset.done $0x0  }
0xa9: {  	s16 =	sadd.s32 s8, s16;
	[sflag:s29] =	ssyncadd.s32 $0xFFFFFE70  }
0xaa: {  	[tilespmem:s31], [sflag:$0x2] =	stream.linear.gather [hbm4b:s16+s5], $0x190, $0x38;
	[tilespmem:$0x1A670] =	vst v63  }
0xab: {  	_ =	swait.ge [sflag:s29], $0x190  }
0xac: {  	[sflag:s29] =	ssyncset.done $0x0  }
0xad: {  	[sflag:s29] =	ssyncadd.s32 $0xFFFFFE70  }
0xae: {  	_ =	swait.ge [sflag:s13], $0x6400  }
0xaf: {  	[sflag:s13] =	ssyncset.done $0x0  }
0xb0: {  	[sflag:s13] =	ssyncadd.s32 $0xFFFF9C00  }
0xb1: {  	[tilespmem:s3], [sflag:$0x1] =	stream.indirect.gather [hbm4b:s6+s0], $0x40, s30, s0, $0xb8;
	[tilespmem:$0x1A670] =	vst v63  }
0xb2: {  	_ = 	snop  }
0xb3: {  	[spmem:s2] =	stream.indirect.scatter.add.f32 [tilespmem:s14], [sflag:$0x2], $0x40, s9, s0, $0xb8;
	[tilespmem:$0x1A670] =	vst v63  }
0xb4: {  	_ =	swait.ge [sflag:s29], $0x6400  }
.Ltmp0:
0xb5: {  	[sflag:s29] =	ssyncset.done $0x0;
	(pc) =	sbr.rel @p4 .LBB2_2-.Ltmp0, $4  }
0xb6: {  	[sflag:s29] =	ssyncadd.s32 $0xFFFF9C00  }
0xb7: {  	[spmem:s4] =	stream.indirect.scatter.add.f32 [tilespmem:s15], [sflag:$0x2], $0x1, s9, s0, $0xb8;
	[tilespmem:$0x1A670] =	vst v63  }
0xb8: {  	_ =	swait.ge [sflag:s29], $0x190  }
0xb9: {  	s21 =	smov.u32 s22;
	s19 =	sadd.s32 $0x320, s19;
	[sflag:s29] =	ssyncset.done $0x0  }
0xba: {  	s16 =	sadd.s32 s20, s25;
	[sflag:s29] =	ssyncadd.s32 $0xFFFFFE70  }
0xbb: {  	[tilespmem:s1], [sflag:$0x2] =	stream.linear.gather [hbm4b:s16+s5], $0x190, $0x38;
	[tilespmem:$0x1A670] =	vst v63  }
0xbc: {  	_ =	swait.ge [sflag:s29], $0x190  }
0xbd: {  	[sflag:s29] =	ssyncset.done $0x0  }
0xbe: {  	s21 =	sadd.s32 s20, s24;
	[sflag:s29] =	ssyncadd.s32 $0xFFFFFE70  }
0xbf: {  	[tilespmem:s9], [sflag:$0x2] =	stream.linear.gather [hbm4b:s21+s5], $0x190, $0x38;
	[tilespmem:$0x1A670] =	vst v63  }
0xc0: {  	_ =	swait.ge [sflag:s29], $0x190  }
0xc1: {  	[sflag:s29] =	ssyncset.done $0x0  }
0xc2: {  	[sflag:s29] =	ssyncadd.s32 $0xFFFFFE70  }
0xc3: {  	_ =	swait.ge [sflag:s13], $0x6400  }
0xc4: {  	[sflag:s13] =	ssyncset.done $0x0  }
0xc5: {  	[sflag:s13] =	ssyncadd.s32 $0xFFFF9C00  }
0xc6: {  	[tilespmem:s14], [sflag:$0x1] =	stream.indirect.gather [hbm4b:s6+s0], $0x40, s1, s0, $0xb8;
	[tilespmem:$0x1A670] =	vst v63  }
0xc7: {  	_ = 	snop  }
0xc8: {  	[spmem:s2] =	stream.indirect.scatter.add.f32 [tilespmem:s3], [sflag:$0x2], $0x40, s31, s0, $0xb8;
	[tilespmem:$0x1A670] =	vst v63  }
0xc9: {  	_ =	swait.ge [sflag:s29], $0x6400  }
0xca: {  	[sflag:s29] =	ssyncset.done $0x0  }
0xcb: {  	[sflag:s29] =	ssyncadd.s32 $0xFFFF9C00  }
0xcc: {  	[spmem:s4] =	stream.indirect.scatter.add.f32 [tilespmem:s15], [sflag:$0x2], $0x1, s31, s0, $0xb8;
	[tilespmem:$0x1A670] =	vst v63  }
0xcd: {  	_ =	swait.ge [sflag:s29], $0x190  }
0xce: {  	s22 =	sshrl.u32 s19, $0x3;
	[sflag:s29] =	ssyncset.done $0x0  }
0xcf: {  	s17 =	sadd.s32 s7, s22;
	[sflag:s29] =	ssyncadd.s32 $0xFFFFFE70  }
0xd0: {  	[tilespmem:s30], [sflag:$0x2] =	stream.linear.gather [hbm4b:s17+s5], $0x190, $0x38;
	[tilespmem:$0x1A670] =	vst v63  }
0xd1: {  	_ =	swait.ge [sflag:s29], $0x190  }
0xd2: {  	[sflag:s29] =	ssyncset.done $0x0  }
0xd3: {  	s16 =	sadd.s32 s8, s22;
	[sflag:s29] =	ssyncadd.s32 $0xFFFFFE70  }
0xd4: {  	[tilespmem:s31], [sflag:$0x2] =	stream.linear.gather [hbm4b:s16+s5], $0x190, $0x38;
	[tilespmem:$0x1A670] =	vst v63  }
0xd5: {  	_ =	swait.ge [sflag:s29], $0x190  }
0xd6: {  	[sflag:s29] =	ssyncset.done $0x0  }
0xd7: {  	[sflag:s29] =	ssyncadd.s32 $0xFFFFFE70  }
0xd8: {  	_ =	swait.ge [sflag:s13], $0x6400  }
0xd9: {  	[sflag:s13] =	ssyncset.done $0x0  }
0xda: {  	[sflag:s13] =	ssyncadd.s32 $0xFFFF9C00  }
0xdb: {  	[tilespmem:s3], [sflag:$0x1] =	stream.indirect.gather [hbm4b:s6+s0], $0x40, s30, s0, $0xb8;
	[tilespmem:$0x1A670] =	vst v63  }
0xdc: {  	_ = 	snop  }
0xdd: {  	[spmem:s2] =	stream.indirect.scatter.add.f32 [tilespmem:s14], [sflag:$0x2], $0x40, s9, s0, $0xb8;
	[tilespmem:$0x1A670] =	vst v63  }
0xde: {  	_ =	swait.ge [sflag:s29], $0x6400  }
0xdf: {  	[sflag:s29] =	ssyncset.done $0x0  }
0xe0: {  	[sflag:s29] =	ssyncadd.s32 $0xFFFF9C00  }
0xe1: {  	[spmem:s4] =	stream.indirect.scatter.add.f32 [tilespmem:s15], [sflag:$0x2], $0x1, s9, s0, $0xb8;
	[tilespmem:$0x1A670] =	vst v63  }
0xe2: {  	_ =	swait.ge [sflag:s29], $0x190  }
0xe3: {  	[sflag:s29] =	ssyncset.done $0x0  }
0xe4: {  	[sflag:s29] =	ssyncadd.s32 $0xFFFFFE70  }
0xe5: {  	_ =	swait.ge [sflag:s13], $0x6400  }
0xe6: {  	[sflag:s13] =	ssyncset.done $0x0  }
0xe7: {  	[sflag:s13] =	ssyncadd.s32 $0xFFFF9C00  }
0xe8: {  	[spmem:s2] =	stream.indirect.scatter.add.f32 [tilespmem:s3], [sflag:$0x2], $0x40, s31, s0, $0xb8;
	[tilespmem:$0x1A670] =	vst v63  }
0xe9: {  	_ =	swait.ge [sflag:s29], $0x6400  }
0xea: {  	[sflag:s29] =	ssyncset.done $0x0  }
0xeb: {  	[sflag:s29] =	ssyncadd.s32 $0xFFFF9C00  }
0xec: {  	[spmem:s4] =	stream.indirect.scatter.add.f32 [tilespmem:s15], [sflag:$0x2], $0x1, s31, s0, $0xb8;
	[tilespmem:$0x1A670] =	vst v63  }
0xed: {  	_ =	swait.ge [sflag:s29], $0x190  }
0xee: {  	[sflag:s29] =	ssyncset.done $0x0  }
0xef: {  	[sflag:s29] =	ssyncadd.s32 $0xFFFFFE70  }
0xf0: {  	[bflag:$0x0] =	sbarrier.arrive $0xFFFF  }
0xf1: {  	[tilespmem:s28], [sflag:$0x2] =	stream.linear.gather [spmem:s10], $0x3400, $0x38;
	[tilespmem:$0x1A670] =	vst v63  }
0xf2: {  	_ =	swait.ge [sflag:s29], $0x3400  }
0xf3: {  	s19 =	simm.s32 $0x40;
	[sflag:s29] =	ssyncset.done $0x0  }
0xf4: {  	s22 =	simm.s32 $0x80;
	s17 =	rddreg [dreg:$0x9];
	[sflag:s29] =	ssyncadd.s32 $0xFFFFCC00  }
0xf5: {  	[hbm4b:s17+s19] =	stream.strided.scatter [tilespmem:s28], [sflag:$0x2], $0x3400, s22, s19, $0x38;
	[tilespmem:$0x1A670] =	vst v63  }
0xf6: {  	_ =	swait.ge [sflag:s29], $0x3400  }
0xf7: {  	[sflag:s29] =	ssyncset.done $0x0  }
0xf8: {  	[sflag:s29] =	ssyncadd.s32 $0xFFFFCC00  }
0xf9: {  	[tilespmem:s28], [sflag:$0x2] =	stream.linear.gather [spmem:s11], $0x3400, $0x38;
	[tilespmem:$0x1A670] =	vst v63  }
0xfa: {  	_ =	swait.ge [sflag:s29], $0x3400  }
0xfb: {  	[sflag:s29] =	ssyncset.done $0x0  }
0xfc: {  	s20 =	rddreg [dreg:$0xa];
	[sflag:s29] =	ssyncadd.s32 $0xFFFFCC00  }
0xfd: {  	[hbm4b:s20+s19] =	stream.strided.scatter [tilespmem:s28], [sflag:$0x2], $0x3400, s22, s19, $0x38;
	[tilespmem:$0x1A670] =	vst v63  }
0xfe: {  	_ =	swait.ge [sflag:s29], $0x3400  }
0xff: {  	[sflag:s29] =	ssyncset.done $0x0  }
0x100: {  	[sflag:s29] =	ssyncadd.s32 $0xFFFFCC00  }
0x101: {  	[tilespmem:s28], [sflag:$0x2] =	stream.linear.gather [spmem:s12], $0x3400, $0x38;
	[tilespmem:$0x1A670] =	vst v63  }
0x102: {  	_ =	swait.ge [sflag:s29], $0x3400  }
0x103: {  	[sflag:s29] =	ssyncset.done $0x0  }
0x104: {  	s21 =	rddreg [dreg:$0xb];
	[sflag:s29] =	ssyncadd.s32 $0xFFFFCC00  }
0x105: {  	[hbm4b:s21+s19] =	stream.strided.scatter [tilespmem:s28], [sflag:$0x2], $0x3400, s22, s19, $0x38;
	[tilespmem:$0x1A670] =	vst v63  }
0x106: {  	_ =	swait.ge [sflag:s29], $0x3400  }
0x107: {  	[sflag:s29] =	ssyncset.done $0x0  }
0x108: {  	s16 =	simm.s32 @!p0 $0x16A80;
	s17 =	simm.s32 @!p0 $0x2;
	[sflag:s29] =	ssyncadd.s32 $0xFFFFCC00  }
0x109: {  	[tilespmem:s16], [sflag:$0x2] =	stream.linear.gather @!p0 [spmem:s26], $0x400, $0x38;
	[tilespmem:$0x1A670] =	vst v63  }
0x10a: {  	_ =	swait.ge @!p0 [sflag:s17], $0x400  }
0x10b: {  	s20 =	simm.s32 @!p0 $0x80;
	[sflag:s17] =	ssyncset.done @!p0 $0x0  }
0x10c: {  	s19 =	simm.s32 @!p0 $0x40;
	s21 =	rddreg [dreg:$0xc];
	[sflag:s17] =	ssyncadd.s32 @!p0 $0xFFFFFC00  }
0x10d: {  	[hbm4b:s21+s19] =	stream.strided.scatter @!p0 [tilespmem:s16], [sflag:$0x2], $0x400, s20, s19, $0x38;
	[tilespmem:$0x1A670] =	vst v63  }
0x10e: {  	_ =	swait.ge @!p0 [sflag:s17], $0x400  }
0x10f: {  	[sflag:s17] =	ssyncset.done @!p0 $0x0  }
0x110: {  	s16 =	simm.s32 @p3 $0x1A288;
	[sflag:s17] =	ssyncadd.s32 @!p0 $0xFFFFFC00;
	s17 =	rddreg [dreg:$0xd]  }
0x111: {  	[tilespmem:s16], [sflag:$0x2] =	stream.linear.gather @p3 [spmem:s17], $0x3E8, $0x38;
	[tilespmem:$0x1A670] =	vst v63  }
0x112: {  	s17 =	simm.s32 @p3 $0x2  }
0x113: {  	_ =	swait.ge @p3 [sflag:s17], $0x3E8  }
0x114: {  	[sflag:s17] =	ssyncset.done @p3 $0x0  }
0x115: {  	s19 =	simm.s32 @p3 $0x0;
	s20 =	rddreg [dreg:$0xe];
	[sflag:s17] =	ssyncadd.s32 @p3 $0xFFFFFC18  }
0x116: {  	[hbm4b:s20+s19] =	stream.linear.scatter @p3 [tilespmem:s16], [sflag:$0x2], $0x3E8, $0x38;
	[tilespmem:$0x1A670] =	vst v63  }
0x117: {  	_ =	swait.ge @p3 [sflag:s17], $0x3E8  }
0x118: {  	s18 =	sadd.s32 $0x1, s18;
	s22 =	rddreg [dreg:$0xf]  }
0x119: {  	p4 =	sne.s32 s18, s22  }
.Ltmp1:
0x11a: {  	_ = 	snop;
	(pc) =	sbr.rel @p4 .LBB2_1-.Ltmp1, $3  }
0x11b: {  	_ =	sdelay $0x1  }
0x11c: {  	[sflag:s17] =	ssyncset.done @p3 $0x0  }
0x11d: {  	[sflag:s17] =	ssyncadd.s32 @p3 $0xFFFFFC18  }
0x11e: {  	_ =	sfence.sel $0x180000  }
0x11f: {  	[bflag:$0x0] =	sbarrier.arrive $0xFFFF  }
0x120: {  	_ =	strace $0x90000047  }
0x121: {  	s0 =	stileid.u32;
	[bflag:$0x2] =	sbarrier.arrive $0xFFFF  }
0x122: {  	p0 =	sne.s32 s0, $0x0;
	s0 =	rddreg [dreg:$0x4]  }
0x123: {  	s0 =	sadd.s32 @!p0 $0x100000, s0  }
0x124: {  	[sflag:s0] =	ssyncadd.tile.s32 @!p0 $0x1;
	_ =	shalt  }
.Lfunc_end2:
_tile_overlayer_lowered:
.L_overlay_start_2:
0x125: {  	(tag) =	ssettag $0x2  }
0x126: {  	s0 =	rddreg [dreg:$0x0];
	s2 =	stileid.u32  }
0x127: {  	s1 =	rddreg [dreg:$0x1];
	p0 =	sne.s32 s2, $0x0  }
0x128: {  	s3 =	rddreg [dreg:$0x2];
	[bflag:$0x3] =	sbarrier.arrive $0xFFFF;
	s2 =	simm.s32 @!p0 $0x1C02  }
0x129: {  	[timem:s3], [sflag:s2] =	dma.local @!p0 [hbm:s0], s1  }
0x12a: {  	s0 =	simm.s32 @!p0 $0x2  }
0x12b: {  	_ =	swait.ge @!p0 [sflag:s0], s1  }
0x12c: {  	s1 =	ssub.s32 @!p0 $0x0, s1;
	[sflag:s0] =	ssyncset.done @!p0 $0x0  }
0x12d: {  	[sflag:s0] =	ssyncadd.s32 @!p0 s1  }
0x12e: {  	[bflag:$0x3] =	sbarrier.arrive $0xFFFF  }
0x12f: {  	_ =	shalt  }

</sc_bundles>
